<compile_context>
chip_gen: v7x
topology: tpu7x:2x2x1
jax: 0.10.2.dev20260603
libtpu: 0.0.44.dev20260713+nightly
codegen_flags: <defaults>
</compile_context>

<pallas_src>
import functools
import math

import jax
import jax.numpy as jnp
from jax import lax
from jax.experimental import pallas as pl
from jax.experimental.pallas import tpu as pltpu
from jax.experimental.pallas import tpu_sc as plsc

B = 256
L = 200
NBLK = 13
TAIL_OFF = L - 16
K = 10
SIGMA = 1.0
NC = 2
NS = 16
NW = NC * NS
EX_PER_W = B // NW
LN2 = 0.6931471805599453
NEG_HUGE = -3.0e38

_DISC_LIST = [1.0 / math.log2(r + 2.0) for r in range(K)] + [0.0] * (16 - K)


def _blk(b):
    return pl.ds(16 * b if b < NBLK - 1 else TAIL_OFF, 16)


def _merge16(a, b):
    ak, av = a
    bk, bv = b
    bkr = lax.rev(bk, (0,))
    bvr = lax.rev(bv, (0,))
    take = ak >= bkr
    mk = jnp.where(take, ak, bkr)
    mv = jnp.where(take, av, bvr)
    return plsc.sort_key_val(mk, mv, descending=True)


def _top16(kv_blocks):
    runs = [plsc.sort_key_val(k, v, descending=True) for k, v in kv_blocks]
    while len(runs) > 1:
        nxt = [_merge16(runs[i], runs[i + 1]) for i in range(0, len(runs) - 1, 2)]
        if len(runs) % 2:
            nxt.append(runs[-1])
        runs = nxt
    return runs[0]


def _top16_vals_asc(key_blocks):
    runs = [jnp.sort(kb) for kb in key_blocks]
    while len(runs) > 1:
        nxt = []
        for i in range(0, len(runs) - 1, 2):
            mk = jnp.minimum(runs[i], lax.rev(runs[i + 1], (0,)))
            nxt.append(jnp.sort(mk))
        if len(runs) % 2:
            nxt.append(runs[-1])
        runs = nxt
    return runs[0]


def _sc_body(pred_hbm, targ_hbm, out_hbm, pred8_v, targ8_v, g_v, out_v,
             sem_p, sem_t):
    lane = lax.iota(jnp.int32, 16)
    zeros16 = (lane ^ lane).astype(jnp.float32)
    disc = zeros16
    for r in range(K):
        disc = jnp.where(lane == r, _DISC_LIST[r], disc)
    tail_ok = lane >= (16 * (NBLK - 1) - TAIL_OFF)
    wid = lax.axis_index("s") * NC + lax.axis_index("c")

    cp_p = pltpu.async_copy(
        pred_hbm.at[pl.ds(wid * EX_PER_W, EX_PER_W)], pred8_v, sem_p)
    cp_t = pltpu.async_copy(
        targ_hbm.at[pl.ds(wid * EX_PER_W, EX_PER_W)], targ8_v, sem_t)
    cp_p.wait()
    cp_t.wait()

    def ex_body(e, total):
        pj = [pred8_v[e, _blk(b)] for b in range(NBLK)]
        gj = [jnp.exp(targ8_v[e, _blk(b)] * LN2) - 1.0 for b in range(NBLK)]
        for b in range(NBLK):
            g_v[_blk(b)] = gj[b]
        pkey = pj[:-1] + [jnp.where(tail_ok, pj[-1], NEG_HUGE)]
        item = [lane + 16 * b for b in range(NBLK - 1)] + [lane + TAIL_OFF]
        pk, pv = _top16([(pkey[b], item[b]) for b in range(NBLK)])
        gkey = [-gj[b] for b in range(NBLK - 1)] + [
            jnp.where(tail_ok, -gj[-1], -NEG_HUGE)]
        gk_neg = _top16_vals_asc(gkey)
        ideal = jnp.broadcast_to(-jnp.sum(gk_neg * disc), (16,))
        recip = jnp.where(ideal == 0.0, zeros16, 1.0 / ideal)
        g_top = plsc.load_gather(g_v, [pv])

        def t_body(t, acc):
            sel = lane == t
            gt = jnp.broadcast_to(jnp.sum(jnp.where(sel, g_top, 0.0)), (16,))
            pt = jnp.broadcast_to(jnp.sum(jnp.where(sel, pk, 0.0)), (16,))
            dt = jnp.broadcast_to(jnp.sum(jnp.where(sel, disc, 0.0)), (16,))
            sub_t = zeros16
            for b in range(NBLK):
                gd = gt - gj[b]
                pd = pt - pj[b]
                mis = gd * pd < 0.0
                if b == NBLK - 1:
                    mis = mis & tail_ok
                val = jnp.abs(gd) * (pt + pj[b])
                sub_t = sub_t + jnp.where(mis, val, 0.0)
            acc = acc + dt * sub_t
            gd = gt - g_top
            pd = pt - pk
            mis = (gd * pd < 0.0) & (lane < K)
            cval = (0.5 * jnp.abs(gd * (disc - dt)) - jnp.abs(gd) * dt) * (pt + pk)
            return acc + jnp.where(mis, cval, 0.0)

        acc = lax.fori_loop(0, K, t_body, zeros16)
        return total + acc * (-SIGMA * recip)

    total = lax.fori_loop(0, EX_PER_W, ex_body, zeros16)
    out_v[...] = total
    pltpu.sync_copy(out_v, out_hbm.at[wid])


_sc_kernel = functools.partial(
    pl.kernel,
    out_type=jax.ShapeDtypeStruct((NW, 16), jnp.float32),
    mesh=plsc.VectorSubcoreMesh(
        core_axis_name="c", subcore_axis_name="s", num_cores=NC, num_subcores=NS
    ),
    compiler_params=pltpu.CompilerParams(needs_layout_passes=False),
    scratch_types=[
        pltpu.VMEM((EX_PER_W, L), jnp.float32),
        pltpu.VMEM((EX_PER_W, L), jnp.float32),
        pltpu.VMEM((L,), jnp.float32),
        pltpu.VMEM((16,), jnp.float32),
        pltpu.SemaphoreType.DMA,
        pltpu.SemaphoreType.DMA,
    ],
)(_sc_body)


def kernel(predictions, targets):
    partials = _sc_kernel(predictions, targets)
    return jnp.sum(partials) / B

# --- scband reference (transcript-rebuilt; emitter-appended) ---
"""Pipeline reference for scband-lambda-rank-loss-36532991819991 (READ-ONLY COPY).

The authoritative reference and input builder live on the scoring server;
editing this copy changes nothing except your own understanding.
"""

import jax, jax.numpy as jnp
import numpy as np

SIGMA = 1.0
K = 10
B = 256
L = 200


def setup_inputs(seed: int = 0) -> dict:
    key = jax.random.key(seed)
    k1, k2 = jax.random.split(key)
    predictions = jax.random.normal(k1, (B, L), dtype=jnp.float32)
    targets = jax.random.uniform(k2, (B, L), dtype=jnp.float32)
    return {"predictions": predictions, "targets": targets}


def _forward(predictions, targets):
    Bn, Ln = predictions.shape
    k = min(K, Ln)
    positions = jnp.arange(Ln, dtype=jnp.float32)
    disc = 1.0 / jnp.log2(positions + 2.0)
    # discounts truncated at rank k (positions >= k contribute 0, matching DCG@k)
    disc_masked = jnp.where(jnp.arange(Ln) < k, disc, 0.0)
    gains = 2.0 ** targets - 1.0

    def per_example(args):
        pred, g = args
        order = jnp.argsort(-pred)          # descending sort indices (torch: sort(descending=True))
        rank = jnp.argsort(order)           # rank[i] = position of item i in sorted list
        dcg = jnp.sum(g[order] * disc_masked)
        ideal = jnp.sort(g)[::-1]
        ideal_dcg = jnp.sum(ideal * disc_masked)
        gd = g[:, None] - g[None, :]        # gain_diff[i, j]
        pd = pred[:, None] - pred[None, :]  # pred_i - pred_j
        di = disc_masked[rank]              # (truncated) discount at each item's current position
        ddisc = di[None, :] - di[:, None]   # disc[rank_j] - disc[rank_i]
        safe_ideal = jnp.where(ideal_dcg == 0.0, 1.0, ideal_dcg)
        # swapping items i and j changes DCG@k by (g_i - g_j) * (dm[rank_j] - dm[rank_i])
        delta_ndcg = jnp.abs(gd * ddisc) / safe_ideal
        misordered = ((gd > 0) & (pd < 0)) | ((gd < 0) & (pd > 0))
        in_topk = (rank[:, None] < k) | (rank[None, :] < k)
        neq = ~jnp.eye(Ln, dtype=bool)
        mask = misordered & in_topk & neq & (gd != 0) & (ideal_dcg != 0.0)
        sig = jax.nn.sigmoid(SIGMA * pd)
        rho = -SIGMA * delta_ndcg
        w_i = jnp.where(gd > 0, 1.0 - sig, sig)
        w_j = jnp.where(gd > 0, sig, 1.0 - sig)
        ci = jnp.where(mask, rho * w_i, 0.0)   # contribution of pair (i,j) to lambdas[i]
        cj = jnp.where(mask, rho * w_j, 0.0)   # contribution of pair (i,j) to lambdas[j]
        lambdas = ci.sum(axis=1) + cj.sum(axis=0)
        return jnp.sum(pred * lambdas)

    losses = jax.lax.map(per_example, (predictions, gains))
    return jnp.sum(losses) / Bn


def reference(predictions, targets):
    return _forward(predictions, targets)

if __name__ == "__main__":
    import jax
    _d = setup_inputs()
    print(jax.jit(kernel)(*tuple(_d.values())))

</pallas_src>

<mosaic_0001>
#map = affine_map<(d0, d1) -> (0, 0)>
module attributes {stable_mosaic.version = 14 : i64} {
  func.func @_sc_body(%arg0: i32, %arg1: i32, %arg2: memref<256x200xf32, #tpu.memory_space<hbm>>, %arg3: memref<256x200xf32, #tpu.memory_space<hbm>>, %arg4: memref<32x16xf32, #tpu.memory_space<hbm>>, %arg5: memref<8x200xf32, #tpu.memory_space<vmem>>, %arg6: memref<8x200xf32, #tpu.memory_space<vmem>>, %arg7: memref<200xf32, #tpu.memory_space<vmem>>, %arg8: memref<16xf32, #tpu.memory_space<vmem>>, %arg9: memref<!tpu.dma_semaphore, #tpu.memory_space<semaphore_mem>>, %arg10: memref<!tpu.dma_semaphore, #tpu.memory_space<semaphore_mem>>) attributes {dimension_semantics = [#tpu.dimension_semantics<core_parallel>, #tpu.dimension_semantics<subcore_parallel>], iteration_bounds = array<i64: 2, 16>, scalar_prefetch = 0 : i64, scratch_operands = 6 : i64, tpu.core_type = #tpu.core_type<sc_vector_subcore>, window_params = [{transform_indices = #map}, {transform_indices = #map}, {transform_indices = #map}]} {
    %iota3A = tpu.iota {dimensions = array<i32: 0>} : vector<16xi32>
    %xor3A = arith.xori %iota3A, %iota3A : vector<16xi32>
    %convert_element_type3A = arith.sitofp %xor3A : vector<16xi32> to vector<16xf32>
    %eq3A = arith.constant 0 : i32
    %eq3A_0 = vector.broadcast %eq3A : i32 to vector<16xi32>
    %eq3A_1 = arith.cmpi eq, %iota3A, %eq3A_0 : vector<16xi32>
    %jit3A = arith.constant 1.000000e+00 : f32
    %broadcast_in_dim3A = vector.broadcast %jit3A : f32 to vector<16xf32>
    %select_n3A = arith.select %eq3A_1, %broadcast_in_dim3A, %convert_element_type3A : vector<16xi1>, vector<16xf32>
    %eq3A_2 = arith.constant 1 : i32
    %eq3A_3 = vector.broadcast %eq3A_2 : i32 to vector<16xi32>
    %eq3A_4 = arith.cmpi eq, %iota3A, %eq3A_3 : vector<16xi32>
    %jit3A_5 = arith.constant 0.630929768 : f32
    %broadcast_in_dim3A_6 = vector.broadcast %jit3A_5 : f32 to vector<16xf32>
    %select_n3A_7 = arith.select %eq3A_4, %broadcast_in_dim3A_6, %select_n3A : vector<16xi1>, vector<16xf32>
    %eq3A_8 = arith.constant 2 : i32
    %eq3A_9 = vector.broadcast %eq3A_8 : i32 to vector<16xi32>
    %eq3A_10 = arith.cmpi eq, %iota3A, %eq3A_9 : vector<16xi32>
    %jit3A_11 = arith.constant 5.000000e-01 : f32
    %broadcast_in_dim3A_12 = vector.broadcast %jit3A_11 : f32 to vector<16xf32>
    %select_n3A_13 = arith.select %eq3A_10, %broadcast_in_dim3A_12, %select_n3A_7 : vector<16xi1>, vector<16xf32>
    %eq3A_14 = arith.constant 3 : i32
    %eq3A_15 = vector.broadcast %eq3A_14 : i32 to vector<16xi32>
    %eq3A_16 = arith.cmpi eq, %iota3A, %eq3A_15 : vector<16xi32>
    %jit3A_17 = arith.constant 0.43067655 : f32
    %broadcast_in_dim3A_18 = vector.broadcast %jit3A_17 : f32 to vector<16xf32>
    %select_n3A_19 = arith.select %eq3A_16, %broadcast_in_dim3A_18, %select_n3A_13 : vector<16xi1>, vector<16xf32>
    %eq3A_20 = arith.constant 4 : i32
    %eq3A_21 = vector.broadcast %eq3A_20 : i32 to vector<16xi32>
    %eq3A_22 = arith.cmpi eq, %iota3A, %eq3A_21 : vector<16xi32>
    %jit3A_23 = arith.constant 0.386852801 : f32
    %broadcast_in_dim3A_24 = vector.broadcast %jit3A_23 : f32 to vector<16xf32>
    %select_n3A_25 = arith.select %eq3A_22, %broadcast_in_dim3A_24, %select_n3A_19 : vector<16xi1>, vector<16xf32>
    %eq3A_26 = arith.constant 5 : i32
    %eq3A_27 = vector.broadcast %eq3A_26 : i32 to vector<16xi32>
    %eq3A_28 = arith.cmpi eq, %iota3A, %eq3A_27 : vector<16xi32>
    %jit3A_29 = arith.constant 0.356207192 : f32
    %broadcast_in_dim3A_30 = vector.broadcast %jit3A_29 : f32 to vector<16xf32>
    %select_n3A_31 = arith.select %eq3A_28, %broadcast_in_dim3A_30, %select_n3A_25 : vector<16xi1>, vector<16xf32>
    %eq3A_32 = arith.constant 6 : i32
    %eq3A_33 = vector.broadcast %eq3A_32 : i32 to vector<16xi32>
    %eq3A_34 = arith.cmpi eq, %iota3A, %eq3A_33 : vector<16xi32>
    %jit3A_35 = arith.constant 0.333333343 : f32
    %broadcast_in_dim3A_36 = vector.broadcast %jit3A_35 : f32 to vector<16xf32>
    %select_n3A_37 = arith.select %eq3A_34, %broadcast_in_dim3A_36, %select_n3A_31 : vector<16xi1>, vector<16xf32>
    %eq3A_38 = arith.constant 7 : i32
    %eq3A_39 = vector.broadcast %eq3A_38 : i32 to vector<16xi32>
    %eq3A_40 = arith.cmpi eq, %iota3A, %eq3A_39 : vector<16xi32>
    %jit3A_41 = arith.constant 0.315464884 : f32
    %broadcast_in_dim3A_42 = vector.broadcast %jit3A_41 : f32 to vector<16xf32>
    %select_n3A_43 = arith.select %eq3A_40, %broadcast_in_dim3A_42, %select_n3A_37 : vector<16xi1>, vector<16xf32>
    %eq3A_44 = arith.constant 8 : i32
    %eq3A_45 = vector.broadcast %eq3A_44 : i32 to vector<16xi32>
    %eq3A_46 = arith.cmpi eq, %iota3A, %eq3A_45 : vector<16xi32>
    %jit3A_47 = arith.constant 3.010300e-01 : f32
    %broadcast_in_dim3A_48 = vector.broadcast %jit3A_47 : f32 to vector<16xf32>
    %select_n3A_49 = arith.select %eq3A_46, %broadcast_in_dim3A_48, %select_n3A_43 : vector<16xi1>, vector<16xf32>
    %eq3A_50 = arith.constant 9 : i32
    %eq3A_51 = vector.broadcast %eq3A_50 : i32 to vector<16xi32>
    %eq3A_52 = arith.cmpi eq, %iota3A, %eq3A_51 : vector<16xi32>
    %jit3A_53 = arith.constant 0.289064825 : f32
    %broadcast_in_dim3A_54 = vector.broadcast %jit3A_53 : f32 to vector<16xf32>
    %select_n3A_55 = arith.select %eq3A_52, %broadcast_in_dim3A_54, %select_n3A_49 : vector<16xi1>, vector<16xf32>
    %ge3A = arith.constant 8 : i32
    %ge3A_56 = vector.broadcast %ge3A : i32 to vector<16xi32>
    %ge3A_57 = arith.cmpi sge, %iota3A, %ge3A_56 : vector<16xi32>
    %mul3A = arith.constant 2 : i32
    %mul3A_58 = arith.muli %arg1, %mul3A : i32
    %add3A = arith.addi %mul3A_58, %arg0 : i32
    %mul3A_59 = arith.constant 8 : i32
    %mul3A_60 = arith.muli %add3A, %mul3A_59 : i32
    %dma_start3A = arith.constant 0 : i32
    %dma_start3A_61 = tpu.memref_slice %arg2[%mul3A_60, %dma_start3A] : memref<256x200xf32, #tpu.memory_space<hbm>> -> memref<8x200xf32, #tpu.memory_space<hbm>>
    %dma_start3A_62 = arith.constant 0 : i32
    %dma_start3A_63 = tpu.memref_slice %arg2[%mul3A_60, %dma_start3A_62] : memref<256x200xf32, #tpu.memory_space<hbm>> -> memref<8x200xf32, #tpu.memory_space<hbm>>
    tpu.enqueue_dma source(%dma_start3A_63 : memref<8x200xf32, #tpu.memory_space<hbm>>) target(%arg5 : memref<8x200xf32, #tpu.memory_space<vmem>>) target_semaphore(%arg9 : memref<!tpu.dma_semaphore, #tpu.memory_space<semaphore_mem>>)
    %mul3A_64 = arith.constant 8 : i32
    %mul3A_65 = arith.muli %add3A, %mul3A_64 : i32
    %dma_start3A_66 = arith.constant 0 : i32
    %dma_start3A_67 = tpu.memref_slice %arg3[%mul3A_65, %dma_start3A_66] : memref<256x200xf32, #tpu.memory_space<hbm>> -> memref<8x200xf32, #tpu.memory_space<hbm>>
    %dma_start3A_68 = arith.constant 0 : i32
    %dma_start3A_69 = tpu.memref_slice %arg3[%mul3A_65, %dma_start3A_68] : memref<256x200xf32, #tpu.memory_space<hbm>> -> memref<8x200xf32, #tpu.memory_space<hbm>>
    tpu.enqueue_dma source(%dma_start3A_69 : memref<8x200xf32, #tpu.memory_space<hbm>>) target(%arg6 : memref<8x200xf32, #tpu.memory_space<vmem>>) target_semaphore(%arg10 : memref<!tpu.dma_semaphore, #tpu.memory_space<semaphore_mem>>)
    %dma_wait3A = arith.constant 0 : i32
    %dma_wait3A_70 = tpu.memref_slice %arg2[%mul3A_60, %dma_wait3A] : memref<256x200xf32, #tpu.memory_space<hbm>> -> memref<8x200xf32, #tpu.memory_space<hbm>>
    %dma_wait3A_71 = arith.constant 0 : i32
    %dma_wait3A_72 = tpu.memref_slice %arg2[%mul3A_60, %dma_wait3A_71] : memref<256x200xf32, #tpu.memory_space<hbm>> -> memref<8x200xf32, #tpu.memory_space<hbm>>
    tpu.wait_dma2 semaphore(%arg9 : memref<!tpu.dma_semaphore, #tpu.memory_space<semaphore_mem>>) src(%dma_wait3A_72 : memref<8x200xf32, #tpu.memory_space<hbm>>) dst(%arg5 : memref<8x200xf32, #tpu.memory_space<vmem>>)
    %dma_wait3A_73 = arith.constant 0 : i32
    %dma_wait3A_74 = tpu.memref_slice %arg3[%mul3A_65, %dma_wait3A_73] : memref<256x200xf32, #tpu.memory_space<hbm>> -> memref<8x200xf32, #tpu.memory_space<hbm>>
    %dma_wait3A_75 = arith.constant 0 : i32
    %dma_wait3A_76 = tpu.memref_slice %arg3[%mul3A_65, %dma_wait3A_75] : memref<256x200xf32, #tpu.memory_space<hbm>> -> memref<8x200xf32, #tpu.memory_space<hbm>>
    tpu.wait_dma2 semaphore(%arg10 : memref<!tpu.dma_semaphore, #tpu.memory_space<semaphore_mem>>) src(%dma_wait3A_76 : memref<8x200xf32, #tpu.memory_space<hbm>>) dst(%arg6 : memref<8x200xf32, #tpu.memory_space<vmem>>)
    %scan3A = arith.constant 0 : i32
    %scan3A_77 = arith.constant 8 : i32
    %scan3A_78 = arith.addi %scan3A, %scan3A_77 : i32
    %scan3A_79 = arith.constant 1 : i32
    %scan3A_80 = scf.for %scan3A_83 = %scan3A to %scan3A_78 step %scan3A_79 iter_args(%scan3A_84 = %convert_element_type3A) -> (vector<16xf32>)  : i32 {
      %get3A = arith.index_cast %scan3A_83 : i32 to index
      %get3A_85 = arith.constant 0 : index
      %get3A_86 = tpu.vector_load %arg5[%get3A, %get3A_85] {strides = array<i32>} : memref<8x200xf32, #tpu.memory_space<vmem>>, vector<16xf32>,
      %get3A_87 = arith.index_cast %scan3A_83 : i32 to index
      %get3A_88 = arith.constant 16 : index
      %get3A_89 = tpu.vector_load %arg5[%get3A_87, %get3A_88] {strides = array<i32>} : memref<8x200xf32, #tpu.memory_space<vmem>>, vector<16xf32>,
      %get3A_90 = arith.index_cast %scan3A_83 : i32 to index
      %get3A_91 = arith.constant 32 : index
      %get3A_92 = tpu.vector_load %arg5[%get3A_90, %get3A_91] {strides = array<i32>} : memref<8x200xf32, #tpu.memory_space<vmem>>, vector<16xf32>,
      %get3A_93 = arith.index_cast %scan3A_83 : i32 to index
      %get3A_94 = arith.constant 48 : index
      %get3A_95 = tpu.vector_load %arg5[%get3A_93, %get3A_94] {strides = array<i32>} : memref<8x200xf32, #tpu.memory_space<vmem>>, vector<16xf32>,
      %get3A_96 = arith.index_cast %scan3A_83 : i32 to index
      %get3A_97 = arith.constant 64 : index
      %get3A_98 = tpu.vector_load %arg5[%get3A_96, %get3A_97] {strides = array<i32>} : memref<8x200xf32, #tpu.memory_space<vmem>>, vector<16xf32>,
      %get3A_99 = arith.index_cast %scan3A_83 : i32 to index
      %get3A_100 = arith.constant 80 : index
      %get3A_101 = tpu.vector_load %arg5[%get3A_99, %get3A_100] {strides = array<i32>} : memref<8x200xf32, #tpu.memory_space<vmem>>, vector<16xf32>,
      %get3A_102 = arith.index_cast %scan3A_83 : i32 to index
      %get3A_103 = arith.constant 96 : index
      %get3A_104 = tpu.vector_load %arg5[%get3A_102, %get3A_103] {strides = array<i32>} : memref<8x200xf32, #tpu.memory_space<vmem>>, vector<16xf32>,
      %get3A_105 = arith.index_cast %scan3A_83 : i32 to index
      %get3A_106 = arith.constant 112 : index
      %get3A_107 = tpu.vector_load %arg5[%get3A_105, %get3A_106] {strides = array<i32>} : memref<8x200xf32, #tpu.memory_space<vmem>>, vector<16xf32>,
      %get3A_108 = arith.index_cast %scan3A_83 : i32 to index
      %get3A_109 = arith.constant 128 : index
      %get3A_110 = tpu.vector_load %arg5[%get3A_108, %get3A_109] {strides = array<i32>} : memref<8x200xf32, #tpu.memory_space<vmem>>, vector<16xf32>,
      %get3A_111 = arith.index_cast %scan3A_83 : i32 to index
      %get3A_112 = arith.constant 144 : index
      %get3A_113 = tpu.vector_load %arg5[%get3A_111, %get3A_112] {strides = array<i32>} : memref<8x200xf32, #tpu.memory_space<vmem>>, vector<16xf32>,
      %get3A_114 = arith.index_cast %scan3A_83 : i32 to index
      %get3A_115 = arith.constant 160 : index
      %get3A_116 = tpu.vector_load %arg5[%get3A_114, %get3A_115] {strides = array<i32>} : memref<8x200xf32, #tpu.memory_space<vmem>>, vector<16xf32>,
      %get3A_117 = arith.index_cast %scan3A_83 : i32 to index
      %get3A_118 = arith.constant 176 : index
      %get3A_119 = tpu.vector_load %arg5[%get3A_117, %get3A_118] {strides = array<i32>} : memref<8x200xf32, #tpu.memory_space<vmem>>, vector<16xf32>,
      %get3A_120 = arith.index_cast %scan3A_83 : i32 to index
      %get3A_121 = arith.constant 184 : index
      %get3A_122 = tpu.vector_load %arg5[%get3A_120, %get3A_121] {strides = array<i32>} : memref<8x200xf32, #tpu.memory_space<vmem>>, vector<16xf32>,
      %get3A_123 = arith.index_cast %scan3A_83 : i32 to index
      %get3A_124 = arith.constant 0 : index
      %get3A_125 = tpu.vector_load %arg6[%get3A_123, %get3A_124] {strides = array<i32>} : memref<8x200xf32, #tpu.memory_space<vmem>>, vector<16xf32>,
      %mul3A_126 = arith.constant 0.693147182 : f32
      %mul3A_127 = vector.broadcast %mul3A_126 : f32 to vector<16xf32>
      %mul3A_128 = arith.mulf %get3A_125, %mul3A_127 : vector<16xf32>
      %exp3A = math.exp %mul3A_128 : vector<16xf32>
      %sub3A = arith.constant 1.000000e+00 : f32
      %sub3A_129 = vector.broadcast %sub3A : f32 to vector<16xf32>
      %sub3A_130 = arith.subf %exp3A, %sub3A_129 : vector<16xf32>
      %get3A_131 = arith.index_cast %scan3A_83 : i32 to index
      %get3A_132 = arith.constant 16 : index
      %get3A_133 = tpu.vector_load %arg6[%get3A_131, %get3A_132] {strides = array<i32>} : memref<8x200xf32, #tpu.memory_space<vmem>>, vector<16xf32>,
      %mul3A_134 = arith.constant 0.693147182 : f32
      %mul3A_135 = vector.broadcast %mul3A_134 : f32 to vector<16xf32>
      %mul3A_136 = arith.mulf %get3A_133, %mul3A_135 : vector<16xf32>
      %exp3A_137 = math.exp %mul3A_136 : vector<16xf32>
      %sub3A_138 = arith.constant 1.000000e+00 : f32
      %sub3A_139 = vector.broadcast %sub3A_138 : f32 to vector<16xf32>
      %sub3A_140 = arith.subf %exp3A_137, %sub3A_139 : vector<16xf32>
      %get3A_141 = arith.index_cast %scan3A_83 : i32 to index
      %get3A_142 = arith.constant 32 : index
      %get3A_143 = tpu.vector_load %arg6[%get3A_141, %get3A_142] {strides = array<i32>} : memref<8x200xf32, #tpu.memory_space<vmem>>, vector<16xf32>,
      %mul3A_144 = arith.constant 0.693147182 : f32
      %mul3A_145 = vector.broadcast %mul3A_144 : f32 to vector<16xf32>
      %mul3A_146 = arith.mulf %get3A_143, %mul3A_145 : vector<16xf32>
      %exp3A_147 = math.exp %mul3A_146 : vector<16xf32>
      %sub3A_148 = arith.constant 1.000000e+00 : f32
      %sub3A_149 = vector.broadcast %sub3A_148 : f32 to vector<16xf32>
      %sub3A_150 = arith.subf %exp3A_147, %sub3A_149 : vector<16xf32>
      %get3A_151 = arith.index_cast %scan3A_83 : i32 to index
      %get3A_152 = arith.constant 48 : index
      %get3A_153 = tpu.vector_load %arg6[%get3A_151, %get3A_152] {strides = array<i32>} : memref<8x200xf32, #tpu.memory_space<vmem>>, vector<16xf32>,
      %mul3A_154 = arith.constant 0.693147182 : f32
      %mul3A_155 = vector.broadcast %mul3A_154 : f32 to vector<16xf32>
      %mul3A_156 = arith.mulf %get3A_153, %mul3A_155 : vector<16xf32>
      %exp3A_157 = math.exp %mul3A_156 : vector<16xf32>
      %sub3A_158 = arith.constant 1.000000e+00 : f32
      %sub3A_159 = vector.broadcast %sub3A_158 : f32 to vector<16xf32>
      %sub3A_160 = arith.subf %exp3A_157, %sub3A_159 : vector<16xf32>
      %get3A_161 = arith.index_cast %scan3A_83 : i32 to index
      %get3A_162 = arith.constant 64 : index
      %get3A_163 = tpu.vector_load %arg6[%get3A_161, %get3A_162] {strides = array<i32>} : memref<8x200xf32, #tpu.memory_space<vmem>>, vector<16xf32>,
      %mul3A_164 = arith.constant 0.693147182 : f32
      %mul3A_165 = vector.broadcast %mul3A_164 : f32 to vector<16xf32>
      %mul3A_166 = arith.mulf %get3A_163, %mul3A_165 : vector<16xf32>
      %exp3A_167 = math.exp %mul3A_166 : vector<16xf32>
      %sub3A_168 = arith.constant 1.000000e+00 : f32
      %sub3A_169 = vector.broadcast %sub3A_168 : f32 to vector<16xf32>
      %sub3A_170 = arith.subf %exp3A_167, %sub3A_169 : vector<16xf32>
      %get3A_171 = arith.index_cast %scan3A_83 : i32 to index
      %get3A_172 = arith.constant 80 : index
      %get3A_173 = tpu.vector_load %arg6[%get3A_171, %get3A_172] {strides = array<i32>} : memref<8x200xf32, #tpu.memory_space<vmem>>, vector<16xf32>,
      %mul3A_174 = arith.constant 0.693147182 : f32
      %mul3A_175 = vector.broadcast %mul3A_174 : f32 to vector<16xf32>
      %mul3A_176 = arith.mulf %get3A_173, %mul3A_175 : vector<16xf32>
      %exp3A_177 = math.exp %mul3A_176 : vector<16xf32>
      %sub3A_178 = arith.constant 1.000000e+00 : f32
      %sub3A_179 = vector.broadcast %sub3A_178 : f32 to vector<16xf32>
      %sub3A_180 = arith.subf %exp3A_177, %sub3A_179 : vector<16xf32>
      %get3A_181 = arith.index_cast %scan3A_83 : i32 to index
      %get3A_182 = arith.constant 96 : index
      %get3A_183 = tpu.vector_load %arg6[%get3A_181, %get3A_182] {strides = array<i32>} : memref<8x200xf32, #tpu.memory_space<vmem>>, vector<16xf32>,
      %mul3A_184 = arith.constant 0.693147182 : f32
      %mul3A_185 = vector.broadcast %mul3A_184 : f32 to vector<16xf32>
      %mul3A_186 = arith.mulf %get3A_183, %mul3A_185 : vector<16xf32>
      %exp3A_187 = math.exp %mul3A_186 : vector<16xf32>
      %sub3A_188 = arith.constant 1.000000e+00 : f32
      %sub3A_189 = vector.broadcast %sub3A_188 : f32 to vector<16xf32>
      %sub3A_190 = arith.subf %exp3A_187, %sub3A_189 : vector<16xf32>
      %get3A_191 = arith.index_cast %scan3A_83 : i32 to index
      %get3A_192 = arith.constant 112 : index
      %get3A_193 = tpu.vector_load %arg6[%get3A_191, %get3A_192] {strides = array<i32>} : memref<8x200xf32, #tpu.memory_space<vmem>>, vector<16xf32>,
      %mul3A_194 = arith.constant 0.693147182 : f32
      %mul3A_195 = vector.broadcast %mul3A_194 : f32 to vector<16xf32>
      %mul3A_196 = arith.mulf %get3A_193, %mul3A_195 : vector<16xf32>
      %exp3A_197 = math.exp %mul3A_196 : vector<16xf32>
      %sub3A_198 = arith.constant 1.000000e+00 : f32
      %sub3A_199 = vector.broadcast %sub3A_198 : f32 to vector<16xf32>
      %sub3A_200 = arith.subf %exp3A_197, %sub3A_199 : vector<16xf32>
      %get3A_201 = arith.index_cast %scan3A_83 : i32 to index
      %get3A_202 = arith.constant 128 : index
      %get3A_203 = tpu.vector_load %arg6[%get3A_201, %get3A_202] {strides = array<i32>} : memref<8x200xf32, #tpu.memory_space<vmem>>, vector<16xf32>,
      %mul3A_204 = arith.constant 0.693147182 : f32
      %mul3A_205 = vector.broadcast %mul3A_204 : f32 to vector<16xf32>
      %mul3A_206 = arith.mulf %get3A_203, %mul3A_205 : vector<16xf32>
      %exp3A_207 = math.exp %mul3A_206 : vector<16xf32>
      %sub3A_208 = arith.constant 1.000000e+00 : f32
      %sub3A_209 = vector.broadcast %sub3A_208 : f32 to vector<16xf32>
      %sub3A_210 = arith.subf %exp3A_207, %sub3A_209 : vector<16xf32>
      %get3A_211 = arith.index_cast %scan3A_83 : i32 to index
      %get3A_212 = arith.constant 144 : index
      %get3A_213 = tpu.vector_load %arg6[%get3A_211, %get3A_212] {strides = array<i32>} : memref<8x200xf32, #tpu.memory_space<vmem>>, vector<16xf32>,
      %mul3A_214 = arith.constant 0.693147182 : f32
      %mul3A_215 = vector.broadcast %mul3A_214 : f32 to vector<16xf32>
      %mul3A_216 = arith.mulf %get3A_213, %mul3A_215 : vector<16xf32>
      %exp3A_217 = math.exp %mul3A_216 : vector<16xf32>
      %sub3A_218 = arith.constant 1.000000e+00 : f32
      %sub3A_219 = vector.broadcast %sub3A_218 : f32 to vector<16xf32>
      %sub3A_220 = arith.subf %exp3A_217, %sub3A_219 : vector<16xf32>
      %get3A_221 = arith.index_cast %scan3A_83 : i32 to index
      %get3A_222 = arith.constant 160 : index
      %get3A_223 = tpu.vector_load %arg6[%get3A_221, %get3A_222] {strides = array<i32>} : memref<8x200xf32, #tpu.memory_space<vmem>>, vector<16xf32>,
      %mul3A_224 = arith.constant 0.693147182 : f32
      %mul3A_225 = vector.broadcast %mul3A_224 : f32 to vector<16xf32>
      %mul3A_226 = arith.mulf %get3A_223, %mul3A_225 : vector<16xf32>
      %exp3A_227 = math.exp %mul3A_226 : vector<16xf32>
      %sub3A_228 = arith.constant 1.000000e+00 : f32
      %sub3A_229 = vector.broadcast %sub3A_228 : f32 to vector<16xf32>
      %sub3A_230 = arith.subf %exp3A_227, %sub3A_229 : vector<16xf32>
      %get3A_231 = arith.index_cast %scan3A_83 : i32 to index
      %get3A_232 = arith.constant 176 : index
      %get3A_233 = tpu.vector_load %arg6[%get3A_231, %get3A_232] {strides = array<i32>} : memref<8x200xf32, #tpu.memory_space<vmem>>, vector<16xf32>,
      %mul3A_234 = arith.constant 0.693147182 : f32
      %mul3A_235 = vector.broadcast %mul3A_234 : f32 to vector<16xf32>
      %mul3A_236 = arith.mulf %get3A_233, %mul3A_235 : vector<16xf32>
      %exp3A_237 = math.exp %mul3A_236 : vector<16xf32>
      %sub3A_238 = arith.constant 1.000000e+00 : f32
      %sub3A_239 = vector.broadcast %sub3A_238 : f32 to vector<16xf32>
      %sub3A_240 = arith.subf %exp3A_237, %sub3A_239 : vector<16xf32>
      %get3A_241 = arith.index_cast %scan3A_83 : i32 to index
      %get3A_242 = arith.constant 184 : index
      %get3A_243 = tpu.vector_load %arg6[%get3A_241, %get3A_242] {strides = array<i32>} : memref<8x200xf32, #tpu.memory_space<vmem>>, vector<16xf32>,
      %mul3A_244 = arith.constant 0.693147182 : f32
      %mul3A_245 = vector.broadcast %mul3A_244 : f32 to vector<16xf32>
      %mul3A_246 = arith.mulf %get3A_243, %mul3A_245 : vector<16xf32>
      %exp3A_247 = math.exp %mul3A_246 : vector<16xf32>
      %sub3A_248 = arith.constant 1.000000e+00 : f32
      %sub3A_249 = vector.broadcast %sub3A_248 : f32 to vector<16xf32>
      %sub3A_250 = arith.subf %exp3A_247, %sub3A_249 : vector<16xf32>
      %swap3A_251 = arith.constant 0 : index
      %swap3A_252 = tpu.vector_load %arg7[%swap3A_251] {strides = array<i32>} : memref<200xf32, #tpu.memory_space<vmem>>, vector<16xf32>,
      tpu.vector_store %arg7[%swap3A_251], %sub3A_130 {strides = array<i32>} : memref<200xf32, #tpu.memory_space<vmem>>, vector<16xf32>,
      %swap3A_253 = arith.constant 16 : index
      %swap3A_254 = tpu.vector_load %arg7[%swap3A_253] {strides = array<i32>} : memref<200xf32, #tpu.memory_space<vmem>>, vector<16xf32>,
      tpu.vector_store %arg7[%swap3A_253], %sub3A_140 {strides = array<i32>} : memref<200xf32, #tpu.memory_space<vmem>>, vector<16xf32>,
      %swap3A_255 = arith.constant 32 : index
      %swap3A_256 = tpu.vector_load %arg7[%swap3A_255] {strides = array<i32>} : memref<200xf32, #tpu.memory_space<vmem>>, vector<16xf32>,
      tpu.vector_store %arg7[%swap3A_255], %sub3A_150 {strides = array<i32>} : memref<200xf32, #tpu.memory_space<vmem>>, vector<16xf32>,
      %swap3A_257 = arith.constant 48 : index
      %swap3A_258 = tpu.vector_load %arg7[%swap3A_257] {strides = array<i32>} : memref<200xf32, #tpu.memory_space<vmem>>, vector<16xf32>,
      tpu.vector_store %arg7[%swap3A_257], %sub3A_160 {strides = array<i32>} : memref<200xf32, #tpu.memory_space<vmem>>, vector<16xf32>,
      %swap3A_259 = arith.constant 64 : index
      %swap3A_260 = tpu.vector_load %arg7[%swap3A_259] {strides = array<i32>} : memref<200xf32, #tpu.memory_space<vmem>>, vector<16xf32>,
      tpu.vector_store %arg7[%swap3A_259], %sub3A_170 {strides = array<i32>} : memref<200xf32, #tpu.memory_space<vmem>>, vector<16xf32>,
      %swap3A_261 = arith.constant 80 : index
      %swap3A_262 = tpu.vector_load %arg7[%swap3A_261] {strides = array<i32>} : memref<200xf32, #tpu.memory_space<vmem>>, vector<16xf32>,
      tpu.vector_store %arg7[%swap3A_261], %sub3A_180 {strides = array<i32>} : memref<200xf32, #tpu.memory_space<vmem>>, vector<16xf32>,
      %swap3A_263 = arith.constant 96 : index
      %swap3A_264 = tpu.vector_load %arg7[%swap3A_263] {strides = array<i32>} : memref<200xf32, #tpu.memory_space<vmem>>, vector<16xf32>,
      tpu.vector_store %arg7[%swap3A_263], %sub3A_190 {strides = array<i32>} : memref<200xf32, #tpu.memory_space<vmem>>, vector<16xf32>,
      %swap3A_265 = arith.constant 112 : index
      %swap3A_266 = tpu.vector_load %arg7[%swap3A_265] {strides = array<i32>} : memref<200xf32, #tpu.memory_space<vmem>>, vector<16xf32>,
      tpu.vector_store %arg7[%swap3A_265], %sub3A_200 {strides = array<i32>} : memref<200xf32, #tpu.memory_space<vmem>>, vector<16xf32>,
      %swap3A_267 = arith.constant 128 : index
      %swap3A_268 = tpu.vector_load %arg7[%swap3A_267] {strides = array<i32>} : memref<200xf32, #tpu.memory_space<vmem>>, vector<16xf32>,
      tpu.vector_store %arg7[%swap3A_267], %sub3A_210 {strides = array<i32>} : memref<200xf32, #tpu.memory_space<vmem>>, vector<16xf32>,
      %swap3A_269 = arith.constant 144 : index
      %swap3A_270 = tpu.vector_load %arg7[%swap3A_269] {strides = array<i32>} : memref<200xf32, #tpu.memory_space<vmem>>, vector<16xf32>,
      tpu.vector_store %arg7[%swap3A_269], %sub3A_220 {strides = array<i32>} : memref<200xf32, #tpu.memory_space<vmem>>, vector<16xf32>,
      %swap3A_271 = arith.constant 160 : index
      %swap3A_272 = tpu.vector_load %arg7[%swap3A_271] {strides = array<i32>} : memref<200xf32, #tpu.memory_space<vmem>>, vector<16xf32>,
      tpu.vector_store %arg7[%swap3A_271], %sub3A_230 {strides = array<i32>} : memref<200xf32, #tpu.memory_space<vmem>>, vector<16xf32>,
      %swap3A_273 = arith.constant 176 : index
      %swap3A_274 = tpu.vector_load %arg7[%swap3A_273] {strides = array<i32>} : memref<200xf32, #tpu.memory_space<vmem>>, vector<16xf32>,
      tpu.vector_store %arg7[%swap3A_273], %sub3A_240 {strides = array<i32>} : memref<200xf32, #tpu.memory_space<vmem>>, vector<16xf32>,
      %swap3A_275 = arith.constant 184 : index
      %swap3A_276 = tpu.vector_load %arg7[%swap3A_275] {strides = array<i32>} : memref<200xf32, #tpu.memory_space<vmem>>, vector<16xf32>,
      tpu.vector_store %arg7[%swap3A_275], %sub3A_250 {strides = array<i32>} : memref<200xf32, #tpu.memory_space<vmem>>, vector<16xf32>,
      %jit3A_277 = arith.constant -3.000000e+38 : f32
      %broadcast_in_dim3A_278 = vector.broadcast %jit3A_277 : f32 to vector<16xf32>
      %select_n3A_279 = arith.select %ge3A_57, %get3A_122, %broadcast_in_dim3A_278 : vector<16xi1>, vector<16xf32>
      %add3A_280 = arith.constant 0 : i32
      %add3A_281 = vector.broadcast %add3A_280 : i32 to vector<16xi32>
      %add3A_282 = arith.addi %iota3A, %add3A_281 : vector<16xi32>
      %add3A_283 = arith.constant 16 : i32
      %add3A_284 = vector.broadcast %add3A_283 : i32 to vector<16xi32>
      %add3A_285 = arith.addi %iota3A, %add3A_284 : vector<16xi32>
      %add3A_286 = arith.constant 32 : i32
      %add3A_287 = vector.broadcast %add3A_286 : i32 to vector<16xi32>
      %add3A_288 = arith.addi %iota3A, %add3A_287 : vector<16xi32>
      %add3A_289 = arith.constant 48 : i32
      %add3A_290 = vector.broadcast %add3A_289 : i32 to vector<16xi32>
      %add3A_291 = arith.addi %iota3A, %add3A_290 : vector<16xi32>
      %add3A_292 = arith.constant 64 : i32
      %add3A_293 = vector.broadcast %add3A_292 : i32 to vector<16xi32>
      %add3A_294 = arith.addi %iota3A, %add3A_293 : vector<16xi32>
      %add3A_295 = arith.constant 80 : i32
      %add3A_296 = vector.broadcast %add3A_295 : i32 to vector<16xi32>
      %add3A_297 = arith.addi %iota3A, %add3A_296 : vector<16xi32>
      %add3A_298 = arith.constant 96 : i32
      %add3A_299 = vector.broadcast %add3A_298 : i32 to vector<16xi32>
      %add3A_300 = arith.addi %iota3A, %add3A_299 : vector<16xi32>
      %add3A_301 = arith.constant 112 : i32
      %add3A_302 = vector.broadcast %add3A_301 : i32 to vector<16xi32>
      %add3A_303 = arith.addi %iota3A, %add3A_302 : vector<16xi32>
      %add3A_304 = arith.constant 128 : i32
      %add3A_305 = vector.broadcast %add3A_304 : i32 to vector<16xi32>
      %add3A_306 = arith.addi %iota3A, %add3A_305 : vector<16xi32>
      %add3A_307 = arith.constant 144 : i32
      %add3A_308 = vector.broadcast %add3A_307 : i32 to vector<16xi32>
      %add3A_309 = arith.addi %iota3A, %add3A_308 : vector<16xi32>
      %add3A_310 = arith.constant 160 : i32
      %add3A_311 = vector.broadcast %add3A_310 : i32 to vector<16xi32>
      %add3A_312 = arith.addi %iota3A, %add3A_311 : vector<16xi32>
      %add3A_313 = arith.constant 176 : i32
      %add3A_314 = vector.broadcast %add3A_313 : i32 to vector<16xi32>
      %add3A_315 = arith.addi %iota3A, %add3A_314 : vector<16xi32>
      %add3A_316 = arith.constant 184 : i32
      %add3A_317 = vector.broadcast %add3A_316 : i32 to vector<16xi32>
      %add3A_318 = arith.addi %iota3A, %add3A_317 : vector<16xi32>
      %masked_sort3A = arith.constant dense<true> : vector<16xi1>
      %masked_sort3A_319, %masked_sort3A_320, %masked_sort3A_321 = tpu.sort %get3A_86, %add3A_282 masked %masked_sort3A {descending = true} : (vector<16xf32>, vector<16xi32>, vector<16xi1>) -> (vector<16xi1>, vector<16xf32>, vector<16xi32>)
      %masked_sort3A_322 = arith.constant dense<true> : vector<16xi1>
      %masked_sort3A_323, %masked_sort3A_324, %masked_sort3A_325 = tpu.sort %get3A_89, %add3A_285 masked %masked_sort3A_322 {descending = true} : (vector<16xf32>, vector<16xi32>, vector<16xi1>) -> (vector<16xi1>, vector<16xf32>, vector<16xi32>)
      %masked_sort3A_326 = arith.constant dense<true> : vector<16xi1>
      %masked_sort3A_327, %masked_sort3A_328, %masked_sort3A_329 = tpu.sort %get3A_92, %add3A_288 masked %masked_sort3A_326 {descending = true} : (vector<16xf32>, vector<16xi32>, vector<16xi1>) -> (vector<16xi1>, vector<16xf32>, vector<16xi32>)
      %masked_sort3A_330 = arith.constant dense<true> : vector<16xi1>
      %masked_sort3A_331, %masked_sort3A_332, %masked_sort3A_333 = tpu.sort %get3A_95, %add3A_291 masked %masked_sort3A_330 {descending = true} : (vector<16xf32>, vector<16xi32>, vector<16xi1>) -> (vector<16xi1>, vector<16xf32>, vector<16xi32>)
      %masked_sort3A_334 = arith.constant dense<true> : vector<16xi1>
      %masked_sort3A_335, %masked_sort3A_336, %masked_sort3A_337 = tpu.sort %get3A_98, %add3A_294 masked %masked_sort3A_334 {descending = true} : (vector<16xf32>, vector<16xi32>, vector<16xi1>) -> (vector<16xi1>, vector<16xf32>, vector<16xi32>)
      %masked_sort3A_338 = arith.constant dense<true> : vector<16xi1>
      %masked_sort3A_339, %masked_sort3A_340, %masked_sort3A_341 = tpu.sort %get3A_101, %add3A_297 masked %masked_sort3A_338 {descending = true} : (vector<16xf32>, vector<16xi32>, vector<16xi1>) -> (vector<16xi1>, vector<16xf32>, vector<16xi32>)
      %masked_sort3A_342 = arith.constant dense<true> : vector<16xi1>
      %masked_sort3A_343, %masked_sort3A_344, %masked_sort3A_345 = tpu.sort %get3A_104, %add3A_300 masked %masked_sort3A_342 {descending = true} : (vector<16xf32>, vector<16xi32>, vector<16xi1>) -> (vector<16xi1>, vector<16xf32>, vector<16xi32>)
      %masked_sort3A_346 = arith.constant dense<true> : vector<16xi1>
      %masked_sort3A_347, %masked_sort3A_348, %masked_sort3A_349 = tpu.sort %get3A_107, %add3A_303 masked %masked_sort3A_346 {descending = true} : (vector<16xf32>, vector<16xi32>, vector<16xi1>) -> (vector<16xi1>, vector<16xf32>, vector<16xi32>)
      %masked_sort3A_350 = arith.constant dense<true> : vector<16xi1>
      %masked_sort3A_351, %masked_sort3A_352, %masked_sort3A_353 = tpu.sort %get3A_110, %add3A_306 masked %masked_sort3A_350 {descending = true} : (vector<16xf32>, vector<16xi32>, vector<16xi1>) -> (vector<16xi1>, vector<16xf32>, vector<16xi32>)
      %masked_sort3A_354 = arith.constant dense<true> : vector<16xi1>
      %masked_sort3A_355, %masked_sort3A_356, %masked_sort3A_357 = tpu.sort %get3A_113, %add3A_309 masked %masked_sort3A_354 {descending = true} : (vector<16xf32>, vector<16xi32>, vector<16xi1>) -> (vector<16xi1>, vector<16xf32>, vector<16xi32>)
      %masked_sort3A_358 = arith.constant dense<true> : vector<16xi1>
      %masked_sort3A_359, %masked_sort3A_360, %masked_sort3A_361 = tpu.sort %get3A_116, %add3A_312 masked %masked_sort3A_358 {descending = true} : (vector<16xf32>, vector<16xi32>, vector<16xi1>) -> (vector<16xi1>, vector<16xf32>, vector<16xi32>)
      %masked_sort3A_362 = arith.constant dense<true> : vector<16xi1>
      %masked_sort3A_363, %masked_sort3A_364, %masked_sort3A_365 = tpu.sort %get3A_119, %add3A_315 masked %masked_sort3A_362 {descending = true} : (vector<16xf32>, vector<16xi32>, vector<16xi1>) -> (vector<16xi1>, vector<16xf32>, vector<16xi32>)
      %masked_sort3A_366 = arith.constant dense<true> : vector<16xi1>
      %masked_sort3A_367, %masked_sort3A_368, %masked_sort3A_369 = tpu.sort %select_n3A_279, %add3A_318 masked %masked_sort3A_366 {descending = true} : (vector<16xf32>, vector<16xi32>, vector<16xi1>) -> (vector<16xi1>, vector<16xf32>, vector<16xi32>)
      %rev3A = arith.constant 15 : i32
      %rev3A_370 = vector.broadcast %rev3A : i32 to vector<16xi32>
      %rev3A_371 = tpu.iota {dimensions = array<i32: 0>} : vector<16xi32>
      %rev3A_372 = arith.subi %rev3A_370, %rev3A_371 : vector<16xi32>
      %rev3A_373 = tpu.dynamic_gather %masked_sort3A_324[%rev3A_372] in [0] : vector<16xf32>, vector<16xi32> -> vector<16xf32>
      %rev3A_374 = arith.constant 15 : i32
      %rev3A_375 = vector.broadcast %rev3A_374 : i32 to vector<16xi32>
      %rev3A_376 = tpu.iota {dimensions = array<i32: 0>} : vector<16xi32>
      %rev3A_377 = arith.subi %rev3A_375, %rev3A_376 : vector<16xi32>
      %rev3A_378 = tpu.dynamic_gather %masked_sort3A_325[%rev3A_377] in [0] : vector<16xi32>, vector<16xi32> -> vector<16xi32>
      %ge3A_379 = arith.cmpf oge, %masked_sort3A_320, %rev3A_373 : vector<16xf32>
      %select_n3A_380 = arith.select %ge3A_379, %masked_sort3A_320, %rev3A_373 : vector<16xi1>, vector<16xf32>
      %select_n3A_381 = arith.select %ge3A_379, %masked_sort3A_321, %rev3A_378 : vector<16xi1>, vector<16xi32>
      %masked_sort3A_382 = arith.constant dense<true> : vector<16xi1>
      %masked_sort3A_383, %masked_sort3A_384, %masked_sort3A_385 = tpu.sort %select_n3A_380, %select_n3A_381 masked %masked_sort3A_382 {descending = true} : (vector<16xf32>, vector<16xi32>, vector<16xi1>) -> (vector<16xi1>, vector<16xf32>, vector<16xi32>)
      %rev3A_386 = arith.constant 15 : i32
      %rev3A_387 = vector.broadcast %rev3A_386 : i32 to vector<16xi32>
      %rev3A_388 = tpu.iota {dimensions = array<i32: 0>} : vector<16xi32>
      %rev3A_389 = arith.subi %rev3A_387, %rev3A_388 : vector<16xi32>
      %rev3A_390 = tpu.dynamic_gather %masked_sort3A_332[%rev3A_389] in [0] : vector<16xf32>, vector<16xi32> -> vector<16xf32>
      %rev3A_391 = arith.constant 15 : i32
      %rev3A_392 = vector.broadcast %rev3A_391 : i32 to vector<16xi32>
      %rev3A_393 = tpu.iota {dimensions = array<i32: 0>} : vector<16xi32>
      %rev3A_394 = arith.subi %rev3A_392, %rev3A_393 : vector<16xi32>
      %rev3A_395 = tpu.dynamic_gather %masked_sort3A_333[%rev3A_394] in [0] : vector<16xi32>, vector<16xi32> -> vector<16xi32>
      %ge3A_396 = arith.cmpf oge, %masked_sort3A_328, %rev3A_390 : vector<16xf32>
      %select_n3A_397 = arith.select %ge3A_396, %masked_sort3A_328, %rev3A_390 : vector<16xi1>, vector<16xf32>
      %select_n3A_398 = arith.select %ge3A_396, %masked_sort3A_329, %rev3A_395 : vector<16xi1>, vector<16xi32>
      %masked_sort3A_399 = arith.constant dense<true> : vector<16xi1>
      %masked_sort3A_400, %masked_sort3A_401, %masked_sort3A_402 = tpu.sort %select_n3A_397, %select_n3A_398 masked %masked_sort3A_399 {descending = true} : (vector<16xf32>, vector<16xi32>, vector<16xi1>) -> (vector<16xi1>, vector<16xf32>, vector<16xi32>)
      %rev3A_403 = arith.constant 15 : i32
      %rev3A_404 = vector.broadcast %rev3A_403 : i32 to vector<16xi32>
      %rev3A_405 = tpu.iota {dimensions = array<i32: 0>} : vector<16xi32>
      %rev3A_406 = arith.subi %rev3A_404, %rev3A_405 : vector<16xi32>
      %rev3A_407 = tpu.dynamic_gather %masked_sort3A_340[%rev3A_406] in [0] : vector<16xf32>, vector<16xi32> -> vector<16xf32>
      %rev3A_408 = arith.constant 15 : i32
      %rev3A_409 = vector.broadcast %rev3A_408 : i32 to vector<16xi32>
      %rev3A_410 = tpu.iota {dimensions = array<i32: 0>} : vector<16xi32>
      %rev3A_411 = arith.subi %rev3A_409, %rev3A_410 : vector<16xi32>
      %rev3A_412 = tpu.dynamic_gather %masked_sort3A_341[%rev3A_411] in [0] : vector<16xi32>, vector<16xi32> -> vector<16xi32>
      %ge3A_413 = arith.cmpf oge, %masked_sort3A_336, %rev3A_407 : vector<16xf32>
      %select_n3A_414 = arith.select %ge3A_413, %masked_sort3A_336, %rev3A_407 : vector<16xi1>, vector<16xf32>
      %select_n3A_415 = arith.select %ge3A_413, %masked_sort3A_337, %rev3A_412 : vector<16xi1>, vector<16xi32>
      %masked_sort3A_416 = arith.constant dense<true> : vector<16xi1>
      %masked_sort3A_417, %masked_sort3A_418, %masked_sort3A_419 = tpu.sort %select_n3A_414, %select_n3A_415 masked %masked_sort3A_416 {descending = true} : (vector<16xf32>, vector<16xi32>, vector<16xi1>) -> (vector<16xi1>, vector<16xf32>, vector<16xi32>)
      %rev3A_420 = arith.constant 15 : i32
      %rev3A_421 = vector.broadcast %rev3A_420 : i32 to vector<16xi32>
      %rev3A_422 = tpu.iota {dimensions = array<i32: 0>} : vector<16xi32>
      %rev3A_423 = arith.subi %rev3A_421, %rev3A_422 : vector<16xi32>
      %rev3A_424 = tpu.dynamic_gather %masked_sort3A_348[%rev3A_423] in [0] : vector<16xf32>, vector<16xi32> -> vector<16xf32>
      %rev3A_425 = arith.constant 15 : i32
      %rev3A_426 = vector.broadcast %rev3A_425 : i32 to vector<16xi32>
      %rev3A_427 = tpu.iota {dimensions = array<i32: 0>} : vector<16xi32>
      %rev3A_428 = arith.subi %rev3A_426, %rev3A_427 : vector<16xi32>
      %rev3A_429 = tpu.dynamic_gather %masked_sort3A_349[%rev3A_428] in [0] : vector<16xi32>, vector<16xi32> -> vector<16xi32>
      %ge3A_430 = arith.cmpf oge, %masked_sort3A_344, %rev3A_424 : vector<16xf32>
      %select_n3A_431 = arith.select %ge3A_430, %masked_sort3A_344, %rev3A_424 : vector<16xi1>, vector<16xf32>
      %select_n3A_432 = arith.select %ge3A_430, %masked_sort3A_345, %rev3A_429 : vector<16xi1>, vector<16xi32>
      %masked_sort3A_433 = arith.constant dense<true> : vector<16xi1>
      %masked_sort3A_434, %masked_sort3A_435, %masked_sort3A_436 = tpu.sort %select_n3A_431, %select_n3A_432 masked %masked_sort3A_433 {descending = true} : (vector<16xf32>, vector<16xi32>, vector<16xi1>) -> (vector<16xi1>, vector<16xf32>, vector<16xi32>)
      %rev3A_437 = arith.constant 15 : i32
      %rev3A_438 = vector.broadcast %rev3A_437 : i32 to vector<16xi32>
      %rev3A_439 = tpu.iota {dimensions = array<i32: 0>} : vector<16xi32>
      %rev3A_440 = arith.subi %rev3A_438, %rev3A_439 : vector<16xi32>
      %rev3A_441 = tpu.dynamic_gather %masked_sort3A_356[%rev3A_440] in [0] : vector<16xf32>, vector<16xi32> -> vector<16xf32>
      %rev3A_442 = arith.constant 15 : i32
      %rev3A_443 = vector.broadcast %rev3A_442 : i32 to vector<16xi32>
      %rev3A_444 = tpu.iota {dimensions = array<i32: 0>} : vector<16xi32>
      %rev3A_445 = arith.subi %rev3A_443, %rev3A_444 : vector<16xi32>
      %rev3A_446 = tpu.dynamic_gather %masked_sort3A_357[%rev3A_445] in [0] : vector<16xi32>, vector<16xi32> -> vector<16xi32>
      %ge3A_447 = arith.cmpf oge, %masked_sort3A_352, %rev3A_441 : vector<16xf32>
      %select_n3A_448 = arith.select %ge3A_447, %masked_sort3A_352, %rev3A_441 : vector<16xi1>, vector<16xf32>
      %select_n3A_449 = arith.select %ge3A_447, %masked_sort3A_353, %rev3A_446 : vector<16xi1>, vector<16xi32>
      %masked_sort3A_450 = arith.constant dense<true> : vector<16xi1>
      %masked_sort3A_451, %masked_sort3A_452, %masked_sort3A_453 = tpu.sort %select_n3A_448, %select_n3A_449 masked %masked_sort3A_450 {descending = true} : (vector<16xf32>, vector<16xi32>, vector<16xi1>) -> (vector<16xi1>, vector<16xf32>, vector<16xi32>)
      %rev3A_454 = arith.constant 15 : i32
      %rev3A_455 = vector.broadcast %rev3A_454 : i32 to vector<16xi32>
      %rev3A_456 = tpu.iota {dimensions = array<i32: 0>} : vector<16xi32>
      %rev3A_457 = arith.subi %rev3A_455, %rev3A_456 : vector<16xi32>
      %rev3A_458 = tpu.dynamic_gather %masked_sort3A_364[%rev3A_457] in [0] : vector<16xf32>, vector<16xi32> -> vector<16xf32>
      %rev3A_459 = arith.constant 15 : i32
      %rev3A_460 = vector.broadcast %rev3A_459 : i32 to vector<16xi32>
      %rev3A_461 = tpu.iota {dimensions = array<i32: 0>} : vector<16xi32>
      %rev3A_462 = arith.subi %rev3A_460, %rev3A_461 : vector<16xi32>
      %rev3A_463 = tpu.dynamic_gather %masked_sort3A_365[%rev3A_462] in [0] : vector<16xi32>, vector<16xi32> -> vector<16xi32>
      %ge3A_464 = arith.cmpf oge, %masked_sort3A_360, %rev3A_458 : vector<16xf32>
      %select_n3A_465 = arith.select %ge3A_464, %masked_sort3A_360, %rev3A_458 : vector<16xi1>, vector<16xf32>
      %select_n3A_466 = arith.select %ge3A_464, %masked_sort3A_361, %rev3A_463 : vector<16xi1>, vector<16xi32>
      %masked_sort3A_467 = arith.constant dense<true> : vector<16xi1>
      %masked_sort3A_468, %masked_sort3A_469, %masked_sort3A_470 = tpu.sort %select_n3A_465, %select_n3A_466 masked %masked_sort3A_467 {descending = true} : (vector<16xf32>, vector<16xi32>, vector<16xi1>) -> (vector<16xi1>, vector<16xf32>, vector<16xi32>)
      %rev3A_471 = arith.constant 15 : i32
      %rev3A_472 = vector.broadcast %rev3A_471 : i32 to vector<16xi32>
      %rev3A_473 = tpu.iota {dimensions = array<i32: 0>} : vector<16xi32>
      %rev3A_474 = arith.subi %rev3A_472, %rev3A_473 : vector<16xi32>
      %rev3A_475 = tpu.dynamic_gather %masked_sort3A_401[%rev3A_474] in [0] : vector<16xf32>, vector<16xi32> -> vector<16xf32>
      %rev3A_476 = arith.constant 15 : i32
      %rev3A_477 = vector.broadcast %rev3A_476 : i32 to vector<16xi32>
      %rev3A_478 = tpu.iota {dimensions = array<i32: 0>} : vector<16xi32>
      %rev3A_479 = arith.subi %rev3A_477, %rev3A_478 : vector<16xi32>
      %rev3A_480 = tpu.dynamic_gather %masked_sort3A_402[%rev3A_479] in [0] : vector<16xi32>, vector<16xi32> -> vector<16xi32>
      %ge3A_481 = arith.cmpf oge, %masked_sort3A_384, %rev3A_475 : vector<16xf32>
      %select_n3A_482 = arith.select %ge3A_481, %masked_sort3A_384, %rev3A_475 : vector<16xi1>, vector<16xf32>
      %select_n3A_483 = arith.select %ge3A_481, %masked_sort3A_385, %rev3A_480 : vector<16xi1>, vector<16xi32>
      %masked_sort3A_484 = arith.constant dense<true> : vector<16xi1>
      %masked_sort3A_485, %masked_sort3A_486, %masked_sort3A_487 = tpu.sort %select_n3A_482, %select_n3A_483 masked %masked_sort3A_484 {descending = true} : (vector<16xf32>, vector<16xi32>, vector<16xi1>) -> (vector<16xi1>, vector<16xf32>, vector<16xi32>)
      %rev3A_488 = arith.constant 15 : i32
      %rev3A_489 = vector.broadcast %rev3A_488 : i32 to vector<16xi32>
      %rev3A_490 = tpu.iota {dimensions = array<i32: 0>} : vector<16xi32>
      %rev3A_491 = arith.subi %rev3A_489, %rev3A_490 : vector<16xi32>
      %rev3A_492 = tpu.dynamic_gather %masked_sort3A_435[%rev3A_491] in [0] : vector<16xf32>, vector<16xi32> -> vector<16xf32>
      %rev3A_493 = arith.constant 15 : i32
      %rev3A_494 = vector.broadcast %rev3A_493 : i32 to vector<16xi32>
      %rev3A_495 = tpu.iota {dimensions = array<i32: 0>} : vector<16xi32>
      %rev3A_496 = arith.subi %rev3A_494, %rev3A_495 : vector<16xi32>
      %rev3A_497 = tpu.dynamic_gather %masked_sort3A_436[%rev3A_496] in [0] : vector<16xi32>, vector<16xi32> -> vector<16xi32>
      %ge3A_498 = arith.cmpf oge, %masked_sort3A_418, %rev3A_492 : vector<16xf32>
      %select_n3A_499 = arith.select %ge3A_498, %masked_sort3A_418, %rev3A_492 : vector<16xi1>, vector<16xf32>
      %select_n3A_500 = arith.select %ge3A_498, %masked_sort3A_419, %rev3A_497 : vector<16xi1>, vector<16xi32>
      %masked_sort3A_501 = arith.constant dense<true> : vector<16xi1>
      %masked_sort3A_502, %masked_sort3A_503, %masked_sort3A_504 = tpu.sort %select_n3A_499, %select_n3A_500 masked %masked_sort3A_501 {descending = true} : (vector<16xf32>, vector<16xi32>, vector<16xi1>) -> (vector<16xi1>, vector<16xf32>, vector<16xi32>)
      %rev3A_505 = arith.constant 15 : i32
      %rev3A_506 = vector.broadcast %rev3A_505 : i32 to vector<16xi32>
      %rev3A_507 = tpu.iota {dimensions = array<i32: 0>} : vector<16xi32>
      %rev3A_508 = arith.subi %rev3A_506, %rev3A_507 : vector<16xi32>
      %rev3A_509 = tpu.dynamic_gather %masked_sort3A_469[%rev3A_508] in [0] : vector<16xf32>, vector<16xi32> -> vector<16xf32>
      %rev3A_510 = arith.constant 15 : i32
      %rev3A_511 = vector.broadcast %rev3A_510 : i32 to vector<16xi32>
      %rev3A_512 = tpu.iota {dimensions = array<i32: 0>} : vector<16xi32>
      %rev3A_513 = arith.subi %rev3A_511, %rev3A_512 : vector<16xi32>
      %rev3A_514 = tpu.dynamic_gather %masked_sort3A_470[%rev3A_513] in [0] : vector<16xi32>, vector<16xi32> -> vector<16xi32>
      %ge3A_515 = arith.cmpf oge, %masked_sort3A_452, %rev3A_509 : vector<16xf32>
      %select_n3A_516 = arith.select %ge3A_515, %masked_sort3A_452, %rev3A_509 : vector<16xi1>, vector<16xf32>
      %select_n3A_517 = arith.select %ge3A_515, %masked_sort3A_453, %rev3A_514 : vector<16xi1>, vector<16xi32>
      %masked_sort3A_518 = arith.constant dense<true> : vector<16xi1>
      %masked_sort3A_519, %masked_sort3A_520, %masked_sort3A_521 = tpu.sort %select_n3A_516, %select_n3A_517 masked %masked_sort3A_518 {descending = true} : (vector<16xf32>, vector<16xi32>, vector<16xi1>) -> (vector<16xi1>, vector<16xf32>, vector<16xi32>)
      %rev3A_522 = arith.constant 15 : i32
      %rev3A_523 = vector.broadcast %rev3A_522 : i32 to vector<16xi32>
      %rev3A_524 = tpu.iota {dimensions = array<i32: 0>} : vector<16xi32>
      %rev3A_525 = arith.subi %rev3A_523, %rev3A_524 : vector<16xi32>
      %rev3A_526 = tpu.dynamic_gather %masked_sort3A_503[%rev3A_525] in [0] : vector<16xf32>, vector<16xi32> -> vector<16xf32>
      %rev3A_527 = arith.constant 15 : i32
      %rev3A_528 = vector.broadcast %rev3A_527 : i32 to vector<16xi32>
      %rev3A_529 = tpu.iota {dimensions = array<i32: 0>} : vector<16xi32>
      %rev3A_530 = arith.subi %rev3A_528, %rev3A_529 : vector<16xi32>
      %rev3A_531 = tpu.dynamic_gather %masked_sort3A_504[%rev3A_530] in [0] : vector<16xi32>, vector<16xi32> -> vector<16xi32>
      %ge3A_532 = arith.cmpf oge, %masked_sort3A_486, %rev3A_526 : vector<16xf32>
      %select_n3A_533 = arith.select %ge3A_532, %masked_sort3A_486, %rev3A_526 : vector<16xi1>, vector<16xf32>
      %select_n3A_534 = arith.select %ge3A_532, %masked_sort3A_487, %rev3A_531 : vector<16xi1>, vector<16xi32>
      %masked_sort3A_535 = arith.constant dense<true> : vector<16xi1>
      %masked_sort3A_536, %masked_sort3A_537, %masked_sort3A_538 = tpu.sort %select_n3A_533, %select_n3A_534 masked %masked_sort3A_535 {descending = true} : (vector<16xf32>, vector<16xi32>, vector<16xi1>) -> (vector<16xi1>, vector<16xf32>, vector<16xi32>)
      %rev3A_539 = arith.constant 15 : i32
      %rev3A_540 = vector.broadcast %rev3A_539 : i32 to vector<16xi32>
      %rev3A_541 = tpu.iota {dimensions = array<i32: 0>} : vector<16xi32>
      %rev3A_542 = arith.subi %rev3A_540, %rev3A_541 : vector<16xi32>
      %rev3A_543 = tpu.dynamic_gather %masked_sort3A_368[%rev3A_542] in [0] : vector<16xf32>, vector<16xi32> -> vector<16xf32>
      %rev3A_544 = arith.constant 15 : i32
      %rev3A_545 = vector.broadcast %rev3A_544 : i32 to vector<16xi32>
      %rev3A_546 = tpu.iota {dimensions = array<i32: 0>} : vector<16xi32>
      %rev3A_547 = arith.subi %rev3A_545, %rev3A_546 : vector<16xi32>
      %rev3A_548 = tpu.dynamic_gather %masked_sort3A_369[%rev3A_547] in [0] : vector<16xi32>, vector<16xi32> -> vector<16xi32>
      %ge3A_549 = arith.cmpf oge, %masked_sort3A_520, %rev3A_543 : vector<16xf32>
      %select_n3A_550 = arith.select %ge3A_549, %masked_sort3A_520, %rev3A_543 : vector<16xi1>, vector<16xf32>
      %select_n3A_551 = arith.select %ge3A_549, %masked_sort3A_521, %rev3A_548 : vector<16xi1>, vector<16xi32>
      %masked_sort3A_552 = arith.constant dense<true> : vector<16xi1>
      %masked_sort3A_553, %masked_sort3A_554, %masked_sort3A_555 = tpu.sort %select_n3A_550, %select_n3A_551 masked %masked_sort3A_552 {descending = true} : (vector<16xf32>, vector<16xi32>, vector<16xi1>) -> (vector<16xi1>, vector<16xf32>, vector<16xi32>)
      %rev3A_556 = arith.constant 15 : i32
      %rev3A_557 = vector.broadcast %rev3A_556 : i32 to vector<16xi32>
      %rev3A_558 = tpu.iota {dimensions = array<i32: 0>} : vector<16xi32>
      %rev3A_559 = arith.subi %rev3A_557, %rev3A_558 : vector<16xi32>
      %rev3A_560 = tpu.dynamic_gather %masked_sort3A_554[%rev3A_559] in [0] : vector<16xf32>, vector<16xi32> -> vector<16xf32>
      %rev3A_561 = arith.constant 15 : i32
      %rev3A_562 = vector.broadcast %rev3A_561 : i32 to vector<16xi32>
      %rev3A_563 = tpu.iota {dimensions = array<i32: 0>} : vector<16xi32>
      %rev3A_564 = arith.subi %rev3A_562, %rev3A_563 : vector<16xi32>
      %rev3A_565 = tpu.dynamic_gather %masked_sort3A_555[%rev3A_564] in [0] : vector<16xi32>, vector<16xi32> -> vector<16xi32>
      %ge3A_566 = arith.cmpf oge, %masked_sort3A_537, %rev3A_560 : vector<16xf32>
      %select_n3A_567 = arith.select %ge3A_566, %masked_sort3A_537, %rev3A_560 : vector<16xi1>, vector<16xf32>
      %select_n3A_568 = arith.select %ge3A_566, %masked_sort3A_538, %rev3A_565 : vector<16xi1>, vector<16xi32>
      %masked_sort3A_569 = arith.constant dense<true> : vector<16xi1>
      %masked_sort3A_570, %masked_sort3A_571, %masked_sort3A_572 = tpu.sort %select_n3A_567, %select_n3A_568 masked %masked_sort3A_569 {descending = true} : (vector<16xf32>, vector<16xi32>, vector<16xi1>) -> (vector<16xi1>, vector<16xf32>, vector<16xi32>)
      %neg3A = arith.constant 0.000000e+00 : f32
      %neg3A_573 = vector.broadcast %neg3A : f32 to vector<16xf32>
      %neg3A_574 = arith.subf %neg3A_573, %sub3A_130 : vector<16xf32>
      %neg3A_575 = arith.constant 0.000000e+00 : f32
      %neg3A_576 = vector.broadcast %neg3A_575 : f32 to vector<16xf32>
      %neg3A_577 = arith.subf %neg3A_576, %sub3A_140 : vector<16xf32>
      %neg3A_578 = arith.constant 0.000000e+00 : f32
      %neg3A_579 = vector.broadcast %neg3A_578 : f32 to vector<16xf32>
      %neg3A_580 = arith.subf %neg3A_579, %sub3A_150 : vector<16xf32>
      %neg3A_581 = arith.constant 0.000000e+00 : f32
      %neg3A_582 = vector.broadcast %neg3A_581 : f32 to vector<16xf32>
      %neg3A_583 = arith.subf %neg3A_582, %sub3A_160 : vector<16xf32>
      %neg3A_584 = arith.constant 0.000000e+00 : f32
      %neg3A_585 = vector.broadcast %neg3A_584 : f32 to vector<16xf32>
      %neg3A_586 = arith.subf %neg3A_585, %sub3A_170 : vector<16xf32>
      %neg3A_587 = arith.constant 0.000000e+00 : f32
      %neg3A_588 = vector.broadcast %neg3A_587 : f32 to vector<16xf32>
      %neg3A_589 = arith.subf %neg3A_588, %sub3A_180 : vector<16xf32>
      %neg3A_590 = arith.constant 0.000000e+00 : f32
      %neg3A_591 = vector.broadcast %neg3A_590 : f32 to vector<16xf32>
      %neg3A_592 = arith.subf %neg3A_591, %sub3A_190 : vector<16xf32>
      %neg3A_593 = arith.constant 0.000000e+00 : f32
      %neg3A_594 = vector.broadcast %neg3A_593 : f32 to vector<16xf32>
      %neg3A_595 = arith.subf %neg3A_594, %sub3A_200 : vector<16xf32>
      %neg3A_596 = arith.constant 0.000000e+00 : f32
      %neg3A_597 = vector.broadcast %neg3A_596 : f32 to vector<16xf32>
      %neg3A_598 = arith.subf %neg3A_597, %sub3A_210 : vector<16xf32>
      %neg3A_599 = arith.constant 0.000000e+00 : f32
      %neg3A_600 = vector.broadcast %neg3A_599 : f32 to vector<16xf32>
      %neg3A_601 = arith.subf %neg3A_600, %sub3A_220 : vector<16xf32>
      %neg3A_602 = arith.constant 0.000000e+00 : f32
      %neg3A_603 = vector.broadcast %neg3A_602 : f32 to vector<16xf32>
      %neg3A_604 = arith.subf %neg3A_603, %sub3A_230 : vector<16xf32>
      %neg3A_605 = arith.constant 0.000000e+00 : f32
      %neg3A_606 = vector.broadcast %neg3A_605 : f32 to vector<16xf32>
      %neg3A_607 = arith.subf %neg3A_606, %sub3A_240 : vector<16xf32>
      %neg3A_608 = arith.constant 0.000000e+00 : f32
      %neg3A_609 = vector.broadcast %neg3A_608 : f32 to vector<16xf32>
      %neg3A_610 = arith.subf %neg3A_609, %sub3A_250 : vector<16xf32>
      %jit3A_611 = arith.constant 3.000000e+38 : f32
      %broadcast_in_dim3A_612 = vector.broadcast %jit3A_611 : f32 to vector<16xf32>
      %select_n3A_613 = arith.select %ge3A_57, %neg3A_610, %broadcast_in_dim3A_612 : vector<16xi1>, vector<16xf32>
      %sort3A = arith.constant dense<true> : vector<16xi1>
      %sort3A_614, %sort3A_615, %sort3A_616 = tpu.sort %neg3A_574, %neg3A_574 masked %sort3A : (vector<16xf32>, vector<16xf32>, vector<16xi1>) -> (vector<16xi1>, vector<16xf32>, vector<16xf32>)
      %sort3A_617 = arith.constant dense<true> : vector<16xi1>
      %sort3A_618, %sort3A_619, %sort3A_620 = tpu.sort %neg3A_577, %neg3A_577 masked %sort3A_617 : (vector<16xf32>, vector<16xf32>, vector<16xi1>) -> (vector<16xi1>, vector<16xf32>, vector<16xf32>)
      %sort3A_621 = arith.constant dense<true> : vector<16xi1>
      %sort3A_622, %sort3A_623, %sort3A_624 = tpu.sort %neg3A_580, %neg3A_580 masked %sort3A_621 : (vector<16xf32>, vector<16xf32>, vector<16xi1>) -> (vector<16xi1>, vector<16xf32>, vector<16xf32>)
      %sort3A_625 = arith.constant dense<true> : vector<16xi1>
      %sort3A_626, %sort3A_627, %sort3A_628 = tpu.sort %neg3A_583, %neg3A_583 masked %sort3A_625 : (vector<16xf32>, vector<16xf32>, vector<16xi1>) -> (vector<16xi1>, vector<16xf32>, vector<16xf32>)
      %sort3A_629 = arith.constant dense<true> : vector<16xi1>
      %sort3A_630, %sort3A_631, %sort3A_632 = tpu.sort %neg3A_586, %neg3A_586 masked %sort3A_629 : (vector<16xf32>, vector<16xf32>, vector<16xi1>) -> (vector<16xi1>, vector<16xf32>, vector<16xf32>)
      %sort3A_633 = arith.constant dense<true> : vector<16xi1>
      %sort3A_634, %sort3A_635, %sort3A_636 = tpu.sort %neg3A_589, %neg3A_589 masked %sort3A_633 : (vector<16xf32>, vector<16xf32>, vector<16xi1>) -> (vector<16xi1>, vector<16xf32>, vector<16xf32>)
      %sort3A_637 = arith.constant dense<true> : vector<16xi1>
      %sort3A_638, %sort3A_639, %sort3A_640 = tpu.sort %neg3A_592, %neg3A_592 masked %sort3A_637 : (vector<16xf32>, vector<16xf32>, vector<16xi1>) -> (vector<16xi1>, vector<16xf32>, vector<16xf32>)
      %sort3A_641 = arith.constant dense<true> : vector<16xi1>
      %sort3A_642, %sort3A_643, %sort3A_644 = tpu.sort %neg3A_595, %neg3A_595 masked %sort3A_641 : (vector<16xf32>, vector<16xf32>, vector<16xi1>) -> (vector<16xi1>, vector<16xf32>, vector<16xf32>)
      %sort3A_645 = arith.constant dense<true> : vector<16xi1>
      %sort3A_646, %sort3A_647, %sort3A_648 = tpu.sort %neg3A_598, %neg3A_598 masked %sort3A_645 : (vector<16xf32>, vector<16xf32>, vector<16xi1>) -> (vector<16xi1>, vector<16xf32>, vector<16xf32>)
      %sort3A_649 = arith.constant dense<true> : vector<16xi1>
      %sort3A_650, %sort3A_651, %sort3A_652 = tpu.sort %neg3A_601, %neg3A_601 masked %sort3A_649 : (vector<16xf32>, vector<16xf32>, vector<16xi1>) -> (vector<16xi1>, vector<16xf32>, vector<16xf32>)
      %sort3A_653 = arith.constant dense<true> : vector<16xi1>
      %sort3A_654, %sort3A_655, %sort3A_656 = tpu.sort %neg3A_604, %neg3A_604 masked %sort3A_653 : (vector<16xf32>, vector<16xf32>, vector<16xi1>) -> (vector<16xi1>, vector<16xf32>, vector<16xf32>)
      %sort3A_657 = arith.constant dense<true> : vector<16xi1>
      %sort3A_658, %sort3A_659, %sort3A_660 = tpu.sort %neg3A_607, %neg3A_607 masked %sort3A_657 : (vector<16xf32>, vector<16xf32>, vector<16xi1>) -> (vector<16xi1>, vector<16xf32>, vector<16xf32>)
      %sort3A_661 = arith.constant dense<true> : vector<16xi1>
      %sort3A_662, %sort3A_663, %sort3A_664 = tpu.sort %select_n3A_613, %select_n3A_613 masked %sort3A_661 : (vector<16xf32>, vector<16xf32>, vector<16xi1>) -> (vector<16xi1>, vector<16xf32>, vector<16xf32>)
      %rev3A_665 = arith.constant 15 : i32
      %rev3A_666 = vector.broadcast %rev3A_665 : i32 to vector<16xi32>
      %rev3A_667 = tpu.iota {dimensions = array<i32: 0>} : vector<16xi32>
      %rev3A_668 = arith.subi %rev3A_666, %rev3A_667 : vector<16xi32>
      %rev3A_669 = tpu.dynamic_gather %sort3A_619[%rev3A_668] in [0] : vector<16xf32>, vector<16xi32> -> vector<16xf32>
      %min3A = arith.minimumf %sort3A_615, %rev3A_669 : vector<16xf32>
      %sort3A_670 = arith.constant dense<true> : vector<16xi1>
      %sort3A_671, %sort3A_672, %sort3A_673 = tpu.sort %min3A, %min3A masked %sort3A_670 : (vector<16xf32>, vector<16xf32>, vector<16xi1>) -> (vector<16xi1>, vector<16xf32>, vector<16xf32>)
      %rev3A_674 = arith.constant 15 : i32
      %rev3A_675 = vector.broadcast %rev3A_674 : i32 to vector<16xi32>
      %rev3A_676 = tpu.iota {dimensions = array<i32: 0>} : vector<16xi32>
      %rev3A_677 = arith.subi %rev3A_675, %rev3A_676 : vector<16xi32>
      %rev3A_678 = tpu.dynamic_gather %sort3A_627[%rev3A_677] in [0] : vector<16xf32>, vector<16xi32> -> vector<16xf32>
      %min3A_679 = arith.minimumf %sort3A_623, %rev3A_678 : vector<16xf32>
      %sort3A_680 = arith.constant dense<true> : vector<16xi1>
      %sort3A_681, %sort3A_682, %sort3A_683 = tpu.sort %min3A_679, %min3A_679 masked %sort3A_680 : (vector<16xf32>, vector<16xf32>, vector<16xi1>) -> (vector<16xi1>, vector<16xf32>, vector<16xf32>)
      %rev3A_684 = arith.constant 15 : i32
      %rev3A_685 = vector.broadcast %rev3A_684 : i32 to vector<16xi32>
      %rev3A_686 = tpu.iota {dimensions = array<i32: 0>} : vector<16xi32>
      %rev3A_687 = arith.subi %rev3A_685, %rev3A_686 : vector<16xi32>
      %rev3A_688 = tpu.dynamic_gather %sort3A_635[%rev3A_687] in [0] : vector<16xf32>, vector<16xi32> -> vector<16xf32>
      %min3A_689 = arith.minimumf %sort3A_631, %rev3A_688 : vector<16xf32>
      %sort3A_690 = arith.constant dense<true> : vector<16xi1>
      %sort3A_691, %sort3A_692, %sort3A_693 = tpu.sort %min3A_689, %min3A_689 masked %sort3A_690 : (vector<16xf32>, vector<16xf32>, vector<16xi1>) -> (vector<16xi1>, vector<16xf32>, vector<16xf32>)
      %rev3A_694 = arith.constant 15 : i32
      %rev3A_695 = vector.broadcast %rev3A_694 : i32 to vector<16xi32>
      %rev3A_696 = tpu.iota {dimensions = array<i32: 0>} : vector<16xi32>
      %rev3A_697 = arith.subi %rev3A_695, %rev3A_696 : vector<16xi32>
      %rev3A_698 = tpu.dynamic_gather %sort3A_643[%rev3A_697] in [0] : vector<16xf32>, vector<16xi32> -> vector<16xf32>
      %min3A_699 = arith.minimumf %sort3A_639, %rev3A_698 : vector<16xf32>
      %sort3A_700 = arith.constant dense<true> : vector<16xi1>
      %sort3A_701, %sort3A_702, %sort3A_703 = tpu.sort %min3A_699, %min3A_699 masked %sort3A_700 : (vector<16xf32>, vector<16xf32>, vector<16xi1>) -> (vector<16xi1>, vector<16xf32>, vector<16xf32>)
      %rev3A_704 = arith.constant 15 : i32
      %rev3A_705 = vector.broadcast %rev3A_704 : i32 to vector<16xi32>
      %rev3A_706 = tpu.iota {dimensions = array<i32: 0>} : vector<16xi32>
      %rev3A_707 = arith.subi %rev3A_705, %rev3A_706 : vector<16xi32>
      %rev3A_708 = tpu.dynamic_gather %sort3A_651[%rev3A_707] in [0] : vector<16xf32>, vector<16xi32> -> vector<16xf32>
      %min3A_709 = arith.minimumf %sort3A_647, %rev3A_708 : vector<16xf32>
      %sort3A_710 = arith.constant dense<true> : vector<16xi1>
      %sort3A_711, %sort3A_712, %sort3A_713 = tpu.sort %min3A_709, %min3A_709 masked %sort3A_710 : (vector<16xf32>, vector<16xf32>, vector<16xi1>) -> (vector<16xi1>, vector<16xf32>, vector<16xf32>)
      %rev3A_714 = arith.constant 15 : i32
      %rev3A_715 = vector.broadcast %rev3A_714 : i32 to vector<16xi32>
      %rev3A_716 = tpu.iota {dimensions = array<i32: 0>} : vector<16xi32>
      %rev3A_717 = arith.subi %rev3A_715, %rev3A_716 : vector<16xi32>
      %rev3A_718 = tpu.dynamic_gather %sort3A_659[%rev3A_717] in [0] : vector<16xf32>, vector<16xi32> -> vector<16xf32>
      %min3A_719 = arith.minimumf %sort3A_655, %rev3A_718 : vector<16xf32>
      %sort3A_720 = arith.constant dense<true> : vector<16xi1>
      %sort3A_721, %sort3A_722, %sort3A_723 = tpu.sort %min3A_719, %min3A_719 masked %sort3A_720 : (vector<16xf32>, vector<16xf32>, vector<16xi1>) -> (vector<16xi1>, vector<16xf32>, vector<16xf32>)
      %rev3A_724 = arith.constant 15 : i32
      %rev3A_725 = vector.broadcast %rev3A_724 : i32 to vector<16xi32>
      %rev3A_726 = tpu.iota {dimensions = array<i32: 0>} : vector<16xi32>
      %rev3A_727 = arith.subi %rev3A_725, %rev3A_726 : vector<16xi32>
      %rev3A_728 = tpu.dynamic_gather %sort3A_682[%rev3A_727] in [0] : vector<16xf32>, vector<16xi32> -> vector<16xf32>
      %min3A_729 = arith.minimumf %sort3A_672, %rev3A_728 : vector<16xf32>
      %sort3A_730 = arith.constant dense<true> : vector<16xi1>
      %sort3A_731, %sort3A_732, %sort3A_733 = tpu.sort %min3A_729, %min3A_729 masked %sort3A_730 : (vector<16xf32>, vector<16xf32>, vector<16xi1>) -> (vector<16xi1>, vector<16xf32>, vector<16xf32>)
      %rev3A_734 = arith.constant 15 : i32
      %rev3A_735 = vector.broadcast %rev3A_734 : i32 to vector<16xi32>
      %rev3A_736 = tpu.iota {dimensions = array<i32: 0>} : vector<16xi32>
      %rev3A_737 = arith.subi %rev3A_735, %rev3A_736 : vector<16xi32>
      %rev3A_738 = tpu.dynamic_gather %sort3A_702[%rev3A_737] in [0] : vector<16xf32>, vector<16xi32> -> vector<16xf32>
      %min3A_739 = arith.minimumf %sort3A_692, %rev3A_738 : vector<16xf32>
      %sort3A_740 = arith.constant dense<true> : vector<16xi1>
      %sort3A_741, %sort3A_742, %sort3A_743 = tpu.sort %min3A_739, %min3A_739 masked %sort3A_740 : (vector<16xf32>, vector<16xf32>, vector<16xi1>) -> (vector<16xi1>, vector<16xf32>, vector<16xf32>)
      %rev3A_744 = arith.constant 15 : i32
      %rev3A_745 = vector.broadcast %rev3A_744 : i32 to vector<16xi32>
      %rev3A_746 = tpu.iota {dimensions = array<i32: 0>} : vector<16xi32>
      %rev3A_747 = arith.subi %rev3A_745, %rev3A_746 : vector<16xi32>
      %rev3A_748 = tpu.dynamic_gather %sort3A_722[%rev3A_747] in [0] : vector<16xf32>, vector<16xi32> -> vector<16xf32>
      %min3A_749 = arith.minimumf %sort3A_712, %rev3A_748 : vector<16xf32>
      %sort3A_750 = arith.constant dense<true> : vector<16xi1>
      %sort3A_751, %sort3A_752, %sort3A_753 = tpu.sort %min3A_749, %min3A_749 masked %sort3A_750 : (vector<16xf32>, vector<16xf32>, vector<16xi1>) -> (vector<16xi1>, vector<16xf32>, vector<16xf32>)
      %rev3A_754 = arith.constant 15 : i32
      %rev3A_755 = vector.broadcast %rev3A_754 : i32 to vector<16xi32>
      %rev3A_756 = tpu.iota {dimensions = array<i32: 0>} : vector<16xi32>
      %rev3A_757 = arith.subi %rev3A_755, %rev3A_756 : vector<16xi32>
      %rev3A_758 = tpu.dynamic_gather %sort3A_742[%rev3A_757] in [0] : vector<16xf32>, vector<16xi32> -> vector<16xf32>
      %min3A_759 = arith.minimumf %sort3A_732, %rev3A_758 : vector<16xf32>
      %sort3A_760 = arith.constant dense<true> : vector<16xi1>
      %sort3A_761, %sort3A_762, %sort3A_763 = tpu.sort %min3A_759, %min3A_759 masked %sort3A_760 : (vector<16xf32>, vector<16xf32>, vector<16xi1>) -> (vector<16xi1>, vector<16xf32>, vector<16xf32>)
      %rev3A_764 = arith.constant 15 : i32
      %rev3A_765 = vector.broadcast %rev3A_764 : i32 to vector<16xi32>
      %rev3A_766 = tpu.iota {dimensions = array<i32: 0>} : vector<16xi32>
      %rev3A_767 = arith.subi %rev3A_765, %rev3A_766 : vector<16xi32>
      %rev3A_768 = tpu.dynamic_gather %sort3A_663[%rev3A_767] in [0] : vector<16xf32>, vector<16xi32> -> vector<16xf32>
      %min3A_769 = arith.minimumf %sort3A_752, %rev3A_768 : vector<16xf32>
      %sort3A_770 = arith.constant dense<true> : vector<16xi1>
      %sort3A_771, %sort3A_772, %sort3A_773 = tpu.sort %min3A_769, %min3A_769 masked %sort3A_770 : (vector<16xf32>, vector<16xf32>, vector<16xi1>) -> (vector<16xi1>, vector<16xf32>, vector<16xf32>)
      %rev3A_774 = arith.constant 15 : i32
      %rev3A_775 = vector.broadcast %rev3A_774 : i32 to vector<16xi32>
      %rev3A_776 = tpu.iota {dimensions = array<i32: 0>} : vector<16xi32>
      %rev3A_777 = arith.subi %rev3A_775, %rev3A_776 : vector<16xi32>
      %rev3A_778 = tpu.dynamic_gather %sort3A_772[%rev3A_777] in [0] : vector<16xf32>, vector<16xi32> -> vector<16xf32>
      %min3A_779 = arith.minimumf %sort3A_762, %rev3A_778 : vector<16xf32>
      %sort3A_780 = arith.constant dense<true> : vector<16xi1>
      %sort3A_781, %sort3A_782, %sort3A_783 = tpu.sort %min3A_779, %min3A_779 masked %sort3A_780 : (vector<16xf32>, vector<16xf32>, vector<16xi1>) -> (vector<16xi1>, vector<16xf32>, vector<16xf32>)
      %mul3A_784 = arith.mulf %sort3A_782, %select_n3A_55 : vector<16xf32>
      %reduce_sum3A = arith.constant true
      %reduce_sum3A_785 = vector.broadcast %reduce_sum3A : i1 to vector<16xi1>
      %reduce_sum3A_786 = tpu.scan <sum>, %mul3A_784 masked %reduce_sum3A_785 : vector<16xf32>, vector<16xi1> -> vector<16xf32>
      %reduce_sum3A_787 = vector.extract %reduce_sum3A_786[15] : f32 from vector<16xf32>
      %neg3A_788 = arith.constant 0.000000e+00 : f32
      %neg3A_789 = arith.subf %neg3A_788, %reduce_sum3A_787 : f32
      %broadcast_in_dim3A_790 = vector.broadcast %neg3A_789 : f32 to vector<16xf32>
      %eq3A_791 = arith.constant 0.000000e+00 : f32
      %eq3A_792 = vector.broadcast %eq3A_791 : f32 to vector<16xf32>
      %eq3A_793 = arith.cmpf oeq, %broadcast_in_dim3A_790, %eq3A_792 : vector<16xf32>
      %div3A = arith.constant 1.000000e+00 : f32
      %div3A_794 = vector.broadcast %div3A : f32 to vector<16xf32>
      %div3A_795 = arith.divf %div3A_794, %broadcast_in_dim3A_790 : vector<16xf32>
      %select_n3A_796 = arith.select %eq3A_793, %convert_element_type3A, %div3A_795 : vector<16xi1>, vector<16xf32>
      %gather3A = tpu.vector_load_idx %arg7[%masked_sort3A_572] : memref<200xf32, #tpu.memory_space<vmem>>[vector<16xi32>], vector<16xf32>,
      %scan3A_797 = arith.constant 0 : i32
      %scan3A_798 = arith.constant 10 : i32
      %scan3A_799 = arith.addi %scan3A_797, %scan3A_798 : i32
      %scan3A_800 = arith.constant 1 : i32
      %scan3A_801 = scf.for %scan3A_808 = %scan3A_797 to %scan3A_799 step %scan3A_800 iter_args(%scan3A_809 = %convert_element_type3A) -> (vector<16xf32>)  : i32 {
        %eq3A_810 = vector.broadcast %scan3A_808 : i32 to vector<16xi32>
        %eq3A_811 = arith.cmpi eq, %iota3A, %eq3A_810 : vector<16xi32>
        %jit3A_812 = arith.constant 0.000000e+00 : f32
        %broadcast_in_dim3A_813 = vector.broadcast %jit3A_812 : f32 to vector<16xf32>
        %select_n3A_814 = arith.select %eq3A_811, %gather3A, %broadcast_in_dim3A_813 : vector<16xi1>, vector<16xf32>
        %reduce_sum3A_815 = arith.constant true
        %reduce_sum3A_816 = vector.broadcast %reduce_sum3A_815 : i1 to vector<16xi1>
        %reduce_sum3A_817 = tpu.scan <sum>, %select_n3A_814 masked %reduce_sum3A_816 : vector<16xf32>, vector<16xi1> -> vector<16xf32>
        %reduce_sum3A_818 = vector.extract %reduce_sum3A_817[15] : f32 from vector<16xf32>
        %broadcast_in_dim3A_819 = vector.broadcast %reduce_sum3A_818 : f32 to vector<16xf32>
        %jit3A_820 = arith.constant 0.000000e+00 : f32
        %broadcast_in_dim3A_821 = vector.broadcast %jit3A_820 : f32 to vector<16xf32>
        %select_n3A_822 = arith.select %eq3A_811, %masked_sort3A_571, %broadcast_in_dim3A_821 : vector<16xi1>, vector<16xf32>
        %reduce_sum3A_823 = arith.constant true
        %reduce_sum3A_824 = vector.broadcast %reduce_sum3A_823 : i1 to vector<16xi1>
        %reduce_sum3A_825 = tpu.scan <sum>, %select_n3A_822 masked %reduce_sum3A_824 : vector<16xf32>, vector<16xi1> -> vector<16xf32>
        %reduce_sum3A_826 = vector.extract %reduce_sum3A_825[15] : f32 from vector<16xf32>
        %broadcast_in_dim3A_827 = vector.broadcast %reduce_sum3A_826 : f32 to vector<16xf32>
        %jit3A_828 = arith.constant 0.000000e+00 : f32
        %broadcast_in_dim3A_829 = vector.broadcast %jit3A_828 : f32 to vector<16xf32>
        %select_n3A_830 = arith.select %eq3A_811, %select_n3A_55, %broadcast_in_dim3A_829 : vector<16xi1>, vector<16xf32>
        %reduce_sum3A_831 = arith.constant true
        %reduce_sum3A_832 = vector.broadcast %reduce_sum3A_831 : i1 to vector<16xi1>
        %reduce_sum3A_833 = tpu.scan <sum>, %select_n3A_830 masked %reduce_sum3A_832 : vector<16xf32>, vector<16xi1> -> vector<16xf32>
        %reduce_sum3A_834 = vector.extract %reduce_sum3A_833[15] : f32 from vector<16xf32>
        %broadcast_in_dim3A_835 = vector.broadcast %reduce_sum3A_834 : f32 to vector<16xf32>
        %sub3A_836 = arith.subf %broadcast_in_dim3A_819, %sub3A_130 : vector<16xf32>
        %sub3A_837 = arith.subf %broadcast_in_dim3A_827, %get3A_86 : vector<16xf32>
        %mul3A_838 = arith.mulf %sub3A_836, %sub3A_837 : vector<16xf32>
        %lt3A = arith.constant 0.000000e+00 : f32
        %lt3A_839 = vector.broadcast %lt3A : f32 to vector<16xf32>
        %lt3A_840 = arith.cmpf olt, %mul3A_838, %lt3A_839 : vector<16xf32>
        %abs3A = math.absf %sub3A_836 : vector<16xf32>
        %add3A_841 = arith.addf %broadcast_in_dim3A_827, %get3A_86 : vector<16xf32>
        %mul3A_842 = arith.mulf %abs3A, %add3A_841 : vector<16xf32>
        %jit3A_843 = arith.constant 0.000000e+00 : f32
        %broadcast_in_dim3A_844 = vector.broadcast %jit3A_843 : f32 to vector<16xf32>
        %select_n3A_845 = arith.select %lt3A_840, %mul3A_842, %broadcast_in_dim3A_844 : vector<16xi1>, vector<16xf32>
        %add3A_846 = arith.addf %convert_element_type3A, %select_n3A_845 : vector<16xf32>
        %sub3A_847 = arith.subf %broadcast_in_dim3A_819, %sub3A_140 : vector<16xf32>
        %sub3A_848 = arith.subf %broadcast_in_dim3A_827, %get3A_89 : vector<16xf32>
        %mul3A_849 = arith.mulf %sub3A_847, %sub3A_848 : vector<16xf32>
        %lt3A_850 = arith.constant 0.000000e+00 : f32
        %lt3A_851 = vector.broadcast %lt3A_850 : f32 to vector<16xf32>
        %lt3A_852 = arith.cmpf olt, %mul3A_849, %lt3A_851 : vector<16xf32>
        %abs3A_853 = math.absf %sub3A_847 : vector<16xf32>
        %add3A_854 = arith.addf %broadcast_in_dim3A_827, %get3A_89 : vector<16xf32>
        %mul3A_855 = arith.mulf %abs3A_853, %add3A_854 : vector<16xf32>
        %jit3A_856 = arith.constant 0.000000e+00 : f32
        %broadcast_in_dim3A_857 = vector.broadcast %jit3A_856 : f32 to vector<16xf32>
        %select_n3A_858 = arith.select %lt3A_852, %mul3A_855, %broadcast_in_dim3A_857 : vector<16xi1>, vector<16xf32>
        %add3A_859 = arith.addf %add3A_846, %select_n3A_858 : vector<16xf32>
        %sub3A_860 = arith.subf %broadcast_in_dim3A_819, %sub3A_150 : vector<16xf32>
        %sub3A_861 = arith.subf %broadcast_in_dim3A_827, %get3A_92 : vector<16xf32>
        %mul3A_862 = arith.mulf %sub3A_860, %sub3A_861 : vector<16xf32>
        %lt3A_863 = arith.constant 0.000000e+00 : f32
        %lt3A_864 = vector.broadcast %lt3A_863 : f32 to vector<16xf32>
        %lt3A_865 = arith.cmpf olt, %mul3A_862, %lt3A_864 : vector<16xf32>
        %abs3A_866 = math.absf %sub3A_860 : vector<16xf32>
        %add3A_867 = arith.addf %broadcast_in_dim3A_827, %get3A_92 : vector<16xf32>
        %mul3A_868 = arith.mulf %abs3A_866, %add3A_867 : vector<16xf32>
        %jit3A_869 = arith.constant 0.000000e+00 : f32
        %broadcast_in_dim3A_870 = vector.broadcast %jit3A_869 : f32 to vector<16xf32>
        %select_n3A_871 = arith.select %lt3A_865, %mul3A_868, %broadcast_in_dim3A_870 : vector<16xi1>, vector<16xf32>
        %add3A_872 = arith.addf %add3A_859, %select_n3A_871 : vector<16xf32>
        %sub3A_873 = arith.subf %broadcast_in_dim3A_819, %sub3A_160 : vector<16xf32>
        %sub3A_874 = arith.subf %broadcast_in_dim3A_827, %get3A_95 : vector<16xf32>
        %mul3A_875 = arith.mulf %sub3A_873, %sub3A_874 : vector<16xf32>
        %lt3A_876 = arith.constant 0.000000e+00 : f32
        %lt3A_877 = vector.broadcast %lt3A_876 : f32 to vector<16xf32>
        %lt3A_878 = arith.cmpf olt, %mul3A_875, %lt3A_877 : vector<16xf32>
        %abs3A_879 = math.absf %sub3A_873 : vector<16xf32>
        %add3A_880 = arith.addf %broadcast_in_dim3A_827, %get3A_95 : vector<16xf32>
        %mul3A_881 = arith.mulf %abs3A_879, %add3A_880 : vector<16xf32>
        %jit3A_882 = arith.constant 0.000000e+00 : f32
        %broadcast_in_dim3A_883 = vector.broadcast %jit3A_882 : f32 to vector<16xf32>
        %select_n3A_884 = arith.select %lt3A_878, %mul3A_881, %broadcast_in_dim3A_883 : vector<16xi1>, vector<16xf32>
        %add3A_885 = arith.addf %add3A_872, %select_n3A_884 : vector<16xf32>
        %sub3A_886 = arith.subf %broadcast_in_dim3A_819, %sub3A_170 : vector<16xf32>
        %sub3A_887 = arith.subf %broadcast_in_dim3A_827, %get3A_98 : vector<16xf32>
        %mul3A_888 = arith.mulf %sub3A_886, %sub3A_887 : vector<16xf32>
        %lt3A_889 = arith.constant 0.000000e+00 : f32
        %lt3A_890 = vector.broadcast %lt3A_889 : f32 to vector<16xf32>
        %lt3A_891 = arith.cmpf olt, %mul3A_888, %lt3A_890 : vector<16xf32>
        %abs3A_892 = math.absf %sub3A_886 : vector<16xf32>
        %add3A_893 = arith.addf %broadcast_in_dim3A_827, %get3A_98 : vector<16xf32>
        %mul3A_894 = arith.mulf %abs3A_892, %add3A_893 : vector<16xf32>
        %jit3A_895 = arith.constant 0.000000e+00 : f32
        %broadcast_in_dim3A_896 = vector.broadcast %jit3A_895 : f32 to vector<16xf32>
        %select_n3A_897 = arith.select %lt3A_891, %mul3A_894, %broadcast_in_dim3A_896 : vector<16xi1>, vector<16xf32>
        %add3A_898 = arith.addf %add3A_885, %select_n3A_897 : vector<16xf32>
        %sub3A_899 = arith.subf %broadcast_in_dim3A_819, %sub3A_180 : vector<16xf32>
        %sub3A_900 = arith.subf %broadcast_in_dim3A_827, %get3A_101 : vector<16xf32>
        %mul3A_901 = arith.mulf %sub3A_899, %sub3A_900 : vector<16xf32>
        %lt3A_902 = arith.constant 0.000000e+00 : f32
        %lt3A_903 = vector.broadcast %lt3A_902 : f32 to vector<16xf32>
        %lt3A_904 = arith.cmpf olt, %mul3A_901, %lt3A_903 : vector<16xf32>
        %abs3A_905 = math.absf %sub3A_899 : vector<16xf32>
        %add3A_906 = arith.addf %broadcast_in_dim3A_827, %get3A_101 : vector<16xf32>
        %mul3A_907 = arith.mulf %abs3A_905, %add3A_906 : vector<16xf32>
        %jit3A_908 = arith.constant 0.000000e+00 : f32
        %broadcast_in_dim3A_909 = vector.broadcast %jit3A_908 : f32 to vector<16xf32>
        %select_n3A_910 = arith.select %lt3A_904, %mul3A_907, %broadcast_in_dim3A_909 : vector<16xi1>, vector<16xf32>
        %add3A_911 = arith.addf %add3A_898, %select_n3A_910 : vector<16xf32>
        %sub3A_912 = arith.subf %broadcast_in_dim3A_819, %sub3A_190 : vector<16xf32>
        %sub3A_913 = arith.subf %broadcast_in_dim3A_827, %get3A_104 : vector<16xf32>
        %mul3A_914 = arith.mulf %sub3A_912, %sub3A_913 : vector<16xf32>
        %lt3A_915 = arith.constant 0.000000e+00 : f32
        %lt3A_916 = vector.broadcast %lt3A_915 : f32 to vector<16xf32>
        %lt3A_917 = arith.cmpf olt, %mul3A_914, %lt3A_916 : vector<16xf32>
        %abs3A_918 = math.absf %sub3A_912 : vector<16xf32>
        %add3A_919 = arith.addf %broadcast_in_dim3A_827, %get3A_104 : vector<16xf32>
        %mul3A_920 = arith.mulf %abs3A_918, %add3A_919 : vector<16xf32>
        %jit3A_921 = arith.constant 0.000000e+00 : f32
        %broadcast_in_dim3A_922 = vector.broadcast %jit3A_921 : f32 to vector<16xf32>
        %select_n3A_923 = arith.select %lt3A_917, %mul3A_920, %broadcast_in_dim3A_922 : vector<16xi1>, vector<16xf32>
        %add3A_924 = arith.addf %add3A_911, %select_n3A_923 : vector<16xf32>
        %sub3A_925 = arith.subf %broadcast_in_dim3A_819, %sub3A_200 : vector<16xf32>
        %sub3A_926 = arith.subf %broadcast_in_dim3A_827, %get3A_107 : vector<16xf32>
        %mul3A_927 = arith.mulf %sub3A_925, %sub3A_926 : vector<16xf32>
        %lt3A_928 = arith.constant 0.000000e+00 : f32
        %lt3A_929 = vector.broadcast %lt3A_928 : f32 to vector<16xf32>
        %lt3A_930 = arith.cmpf olt, %mul3A_927, %lt3A_929 : vector<16xf32>
        %abs3A_931 = math.absf %sub3A_925 : vector<16xf32>
        %add3A_932 = arith.addf %broadcast_in_dim3A_827, %get3A_107 : vector<16xf32>
        %mul3A_933 = arith.mulf %abs3A_931, %add3A_932 : vector<16xf32>
        %jit3A_934 = arith.constant 0.000000e+00 : f32
        %broadcast_in_dim3A_935 = vector.broadcast %jit3A_934 : f32 to vector<16xf32>
        %select_n3A_936 = arith.select %lt3A_930, %mul3A_933, %broadcast_in_dim3A_935 : vector<16xi1>, vector<16xf32>
        %add3A_937 = arith.addf %add3A_924, %select_n3A_936 : vector<16xf32>
        %sub3A_938 = arith.subf %broadcast_in_dim3A_819, %sub3A_210 : vector<16xf32>
        %sub3A_939 = arith.subf %broadcast_in_dim3A_827, %get3A_110 : vector<16xf32>
        %mul3A_940 = arith.mulf %sub3A_938, %sub3A_939 : vector<16xf32>
        %lt3A_941 = arith.constant 0.000000e+00 : f32
        %lt3A_942 = vector.broadcast %lt3A_941 : f32 to vector<16xf32>
        %lt3A_943 = arith.cmpf olt, %mul3A_940, %lt3A_942 : vector<16xf32>
        %abs3A_944 = math.absf %sub3A_938 : vector<16xf32>
        %add3A_945 = arith.addf %broadcast_in_dim3A_827, %get3A_110 : vector<16xf32>
        %mul3A_946 = arith.mulf %abs3A_944, %add3A_945 : vector<16xf32>
        %jit3A_947 = arith.constant 0.000000e+00 : f32
        %broadcast_in_dim3A_948 = vector.broadcast %jit3A_947 : f32 to vector<16xf32>
        %select_n3A_949 = arith.select %lt3A_943, %mul3A_946, %broadcast_in_dim3A_948 : vector<16xi1>, vector<16xf32>
        %add3A_950 = arith.addf %add3A_937, %select_n3A_949 : vector<16xf32>
        %sub3A_951 = arith.subf %broadcast_in_dim3A_819, %sub3A_220 : vector<16xf32>
        %sub3A_952 = arith.subf %broadcast_in_dim3A_827, %get3A_113 : vector<16xf32>
        %mul3A_953 = arith.mulf %sub3A_951, %sub3A_952 : vector<16xf32>
        %lt3A_954 = arith.constant 0.000000e+00 : f32
        %lt3A_955 = vector.broadcast %lt3A_954 : f32 to vector<16xf32>
        %lt3A_956 = arith.cmpf olt, %mul3A_953, %lt3A_955 : vector<16xf32>
        %abs3A_957 = math.absf %sub3A_951 : vector<16xf32>
        %add3A_958 = arith.addf %broadcast_in_dim3A_827, %get3A_113 : vector<16xf32>
        %mul3A_959 = arith.mulf %abs3A_957, %add3A_958 : vector<16xf32>
        %jit3A_960 = arith.constant 0.000000e+00 : f32
        %broadcast_in_dim3A_961 = vector.broadcast %jit3A_960 : f32 to vector<16xf32>
        %select_n3A_962 = arith.select %lt3A_956, %mul3A_959, %broadcast_in_dim3A_961 : vector<16xi1>, vector<16xf32>
        %add3A_963 = arith.addf %add3A_950, %select_n3A_962 : vector<16xf32>
        %sub3A_964 = arith.subf %broadcast_in_dim3A_819, %sub3A_230 : vector<16xf32>
        %sub3A_965 = arith.subf %broadcast_in_dim3A_827, %get3A_116 : vector<16xf32>
        %mul3A_966 = arith.mulf %sub3A_964, %sub3A_965 : vector<16xf32>
        %lt3A_967 = arith.constant 0.000000e+00 : f32
        %lt3A_968 = vector.broadcast %lt3A_967 : f32 to vector<16xf32>
        %lt3A_969 = arith.cmpf olt, %mul3A_966, %lt3A_968 : vector<16xf32>
        %abs3A_970 = math.absf %sub3A_964 : vector<16xf32>
        %add3A_971 = arith.addf %broadcast_in_dim3A_827, %get3A_116 : vector<16xf32>
        %mul3A_972 = arith.mulf %abs3A_970, %add3A_971 : vector<16xf32>
        %jit3A_973 = arith.constant 0.000000e+00 : f32
        %broadcast_in_dim3A_974 = vector.broadcast %jit3A_973 : f32 to vector<16xf32>
        %select_n3A_975 = arith.select %lt3A_969, %mul3A_972, %broadcast_in_dim3A_974 : vector<16xi1>, vector<16xf32>
        %add3A_976 = arith.addf %add3A_963, %select_n3A_975 : vector<16xf32>
        %sub3A_977 = arith.subf %broadcast_in_dim3A_819, %sub3A_240 : vector<16xf32>
        %sub3A_978 = arith.subf %broadcast_in_dim3A_827, %get3A_119 : vector<16xf32>
        %mul3A_979 = arith.mulf %sub3A_977, %sub3A_978 : vector<16xf32>
        %lt3A_980 = arith.constant 0.000000e+00 : f32
        %lt3A_981 = vector.broadcast %lt3A_980 : f32 to vector<16xf32>
        %lt3A_982 = arith.cmpf olt, %mul3A_979, %lt3A_981 : vector<16xf32>
        %abs3A_983 = math.absf %sub3A_977 : vector<16xf32>
        %add3A_984 = arith.addf %broadcast_in_dim3A_827, %get3A_119 : vector<16xf32>
        %mul3A_985 = arith.mulf %abs3A_983, %add3A_984 : vector<16xf32>
        %jit3A_986 = arith.constant 0.000000e+00 : f32
        %broadcast_in_dim3A_987 = vector.broadcast %jit3A_986 : f32 to vector<16xf32>
        %select_n3A_988 = arith.select %lt3A_982, %mul3A_985, %broadcast_in_dim3A_987 : vector<16xi1>, vector<16xf32>
        %add3A_989 = arith.addf %add3A_976, %select_n3A_988 : vector<16xf32>
        %sub3A_990 = arith.subf %broadcast_in_dim3A_819, %sub3A_250 : vector<16xf32>
        %sub3A_991 = arith.subf %broadcast_in_dim3A_827, %get3A_122 : vector<16xf32>
        %mul3A_992 = arith.mulf %sub3A_990, %sub3A_991 : vector<16xf32>
        %lt3A_993 = arith.constant 0.000000e+00 : f32
        %lt3A_994 = vector.broadcast %lt3A_993 : f32 to vector<16xf32>
        %lt3A_995 = arith.cmpf olt, %mul3A_992, %lt3A_994 : vector<16xf32>
        %and3A = arith.andi %lt3A_995, %ge3A_57 : vector<16xi1>
        %abs3A_996 = math.absf %sub3A_990 : vector<16xf32>
        %add3A_997 = arith.addf %broadcast_in_dim3A_827, %get3A_122 : vector<16xf32>
        %mul3A_998 = arith.mulf %abs3A_996, %add3A_997 : vector<16xf32>
        %jit3A_999 = arith.constant 0.000000e+00 : f32
        %broadcast_in_dim3A_1000 = vector.broadcast %jit3A_999 : f32 to vector<16xf32>
        %select_n3A_1001 = arith.select %and3A, %mul3A_998, %broadcast_in_dim3A_1000 : vector<16xi1>, vector<16xf32>
        %add3A_1002 = arith.addf %add3A_989, %select_n3A_1001 : vector<16xf32>
        %mul3A_1003 = arith.mulf %broadcast_in_dim3A_835, %add3A_1002 : vector<16xf32>
        %add3A_1004 = arith.addf %scan3A_809, %mul3A_1003 : vector<16xf32>
        %sub3A_1005 = arith.subf %broadcast_in_dim3A_819, %gather3A : vector<16xf32>
        %sub3A_1006 = arith.subf %broadcast_in_dim3A_827, %masked_sort3A_571 : vector<16xf32>
        %mul3A_1007 = arith.mulf %sub3A_1005, %sub3A_1006 : vector<16xf32>
        %lt3A_1008 = arith.constant 0.000000e+00 : f32
        %lt3A_1009 = vector.broadcast %lt3A_1008 : f32 to vector<16xf32>
        %lt3A_1010 = arith.cmpf olt, %mul3A_1007, %lt3A_1009 : vector<16xf32>
        %lt3A_1011 = arith.constant 10 : i32
        %lt3A_1012 = vector.broadcast %lt3A_1011 : i32 to vector<16xi32>
        %lt3A_1013 = arith.cmpi slt, %iota3A, %lt3A_1012 : vector<16xi32>
        %and3A_1014 = arith.andi %lt3A_1010, %lt3A_1013 : vector<16xi1>
        %sub3A_1015 = arith.subf %select_n3A_55, %broadcast_in_dim3A_835 : vector<16xf32>
        %mul3A_1016 = arith.mulf %sub3A_1005, %sub3A_1015 : vector<16xf32>
        %abs3A_1017 = math.absf %mul3A_1016 : vector<16xf32>
        %mul3A_1018 = arith.constant 5.000000e-01 : f32
        %mul3A_1019 = vector.broadcast %mul3A_1018 : f32 to vector<16xf32>
        %mul3A_1020 = arith.mulf %mul3A_1019, %abs3A_1017 : vector<16xf32>
        %abs3A_1021 = math.absf %sub3A_1005 : vector<16xf32>
        %mul3A_1022 = arith.mulf %abs3A_1021, %broadcast_in_dim3A_835 : vector<16xf32>
        %sub3A_1023 = arith.subf %mul3A_1020, %mul3A_1022 : vector<16xf32>
        %add3A_1024 = arith.addf %broadcast_in_dim3A_827, %masked_sort3A_571 : vector<16xf32>
        %mul3A_1025 = arith.mulf %sub3A_1023, %add3A_1024 : vector<16xf32>
        %jit3A_1026 = arith.constant 0.000000e+00 : f32
        %broadcast_in_dim3A_1027 = vector.broadcast %jit3A_1026 : f32 to vector<16xf32>
        %select_n3A_1028 = arith.select %and3A_1014, %mul3A_1025, %broadcast_in_dim3A_1027 : vector<16xi1>, vector<16xf32>
        %add3A_1029 = arith.addf %add3A_1004, %select_n3A_1028 : vector<16xf32>
        scf.yield %add3A_1029 : vector<16xf32>
      }
      %scan3A_802 = arith.constant 10 : i32
      %mul3A_803 = arith.constant -1.000000e+00 : f32
      %mul3A_804 = vector.broadcast %mul3A_803 : f32 to vector<16xf32>
      %mul3A_805 = arith.mulf %mul3A_804, %select_n3A_796 : vector<16xf32>
      %mul3A_806 = arith.mulf %scan3A_801, %mul3A_805 : vector<16xf32>
      %add3A_807 = arith.addf %scan3A_84, %mul3A_806 : vector<16xf32>
      scf.yield %add3A_807 : vector<16xf32>
    }
    %scan3A_81 = arith.constant 8 : i32
    %swap3A = arith.constant 0 : index
    %swap3A_82 = tpu.vector_load %arg8[%swap3A] {strides = array<i32>} : memref<16xf32, #tpu.memory_space<vmem>>, vector<16xf32>,
    tpu.vector_store %arg8[%swap3A], %scan3A_80 {strides = array<i32>} : memref<16xf32, #tpu.memory_space<vmem>>, vector<16xf32>,
    "tpu.region"() ({
      %run_scoped3A = tpu.sem_alloc : memref<!tpu.dma_semaphore, #tpu.memory_space<semaphore_mem>>
      %dma_start3A_83 = arith.constant 0 : i32
      %dma_start3A_84 = tpu.memref_slice %arg4[%add3A, %dma_start3A_83] : memref<32x16xf32, #tpu.memory_space<hbm>> -> memref<1x16xf32, #tpu.memory_space<hbm>>
      %dma_start3A_85 = tpu.memref_squeeze %dma_start3A_84 : memref<1x16xf32, #tpu.memory_space<hbm>> -> memref<16xf32, #tpu.memory_space<hbm>>
      %dma_start3A_86 = arith.constant 0 : i32
      %dma_start3A_87 = tpu.memref_slice %arg4[%add3A, %dma_start3A_86] : memref<32x16xf32, #tpu.memory_space<hbm>> -> memref<1x16xf32, #tpu.memory_space<hbm>>
      %dma_start3A_88 = tpu.memref_squeeze %dma_start3A_87 : memref<1x16xf32, #tpu.memory_space<hbm>> -> memref<16xf32, #tpu.memory_space<hbm>>
      tpu.enqueue_dma source(%arg8 : memref<16xf32, #tpu.memory_space<vmem>>) target(%dma_start3A_88 : memref<16xf32, #tpu.memory_space<hbm>>) target_semaphore(%run_scoped3A : memref<!tpu.dma_semaphore, #tpu.memory_space<semaphore_mem>>)
      %dma_wait3A_89 = arith.constant 0 : i32
      %dma_wait3A_90 = tpu.memref_slice %arg4[%add3A, %dma_wait3A_89] : memref<32x16xf32, #tpu.memory_space<hbm>> -> memref<1x16xf32, #tpu.memory_space<hbm>>
      %dma_wait3A_91 = tpu.memref_squeeze %dma_wait3A_90 : memref<1x16xf32, #tpu.memory_space<hbm>> -> memref<16xf32, #tpu.memory_space<hbm>>
      %dma_wait3A_92 = arith.constant 0 : i32
      %dma_wait3A_93 = tpu.memref_slice %arg4[%add3A, %dma_wait3A_92] : memref<32x16xf32, #tpu.memory_space<hbm>> -> memref<1x16xf32, #tpu.memory_space<hbm>>
      %dma_wait3A_94 = tpu.memref_squeeze %dma_wait3A_93 : memref<1x16xf32, #tpu.memory_space<hbm>> -> memref<16xf32, #tpu.memory_space<hbm>>
      tpu.wait_dma2 semaphore(%run_scoped3A : memref<!tpu.dma_semaphore, #tpu.memory_space<semaphore_mem>>) src(%arg8 : memref<16xf32, #tpu.memory_space<vmem>>) dst(%dma_wait3A_94 : memref<16xf32, #tpu.memory_space<hbm>>)
      tpu.yield
    }) : () -> ()
    return
  }
}

</mosaic_0001>

<sc_bundles>
// kernel: kernel.3.cloned.1.call-start
scs
__scs_entry_jumppad:
0x0: {  	(pc) =	sbr.rel $0x88, $3  }
0x1: {  	(tag) =	ssettag $0x0;
	lr =	simm.s32 $0x1  }
0x2: {  	[smem:$0x3F9F] =	sst lr;
	_ =	strace $0xD0000000  }
0x3: {  	_ = 	snop  }
0x4: {  	_ = 	snop  }
0x5: {  	_ = 	snop  }
0x6: {  	_ = 	snop  }
0x7: {  	_ = 	snop  }
__scs_overlays_trampoline_lowered:
0x8: {  	[smem:$0x3FAE] =	sst s0  }
0x9: {  	[smem:$0x3FAF] =	sst s1  }
0xa: {  	[smem:$0x3FB0] =	sst s2  }
0xb: {  	[smem:$0x3FB1] =	sst s3  }
0xc: {  	[smem:$0x3FB2] =	sst s4  }
0xd: {  	[smem:$0x3FB3] =	sst s5  }
0xe: {  	[smem:$0x3FB4] =	sst s6  }
0xf: {  	[smem:$0x3FB5] =	sst s7  }
0x10: {  	[smem:$0x3FB6] =	sst s8  }
0x11: {  	[smem:$0x3FB7] =	sst s9;
	s0 =	simm.s32 @!p0 $0x0  }
0x12: {  	s1 =	sld [smem:$0x3F9D];
	s0 =	simm.s32 @p0 $0x1  }
0x13: {  	[smem:$0x3FB8] =	sst s0;
	s0 =	simm.s32 @!p1 $0x0  }
0x14: {  	s2 =	sld [smem:$0x3F9C];
	s0 =	simm.s32 @p1 $0x1  }
0x15: {  	[smem:$0x3FB9] =	sst s0;
	s0 =	simm.s32 @!p2 $0x0  }
0x16: {  	s3 =	sld [smem:$0x3FDB];
	s0 =	simm.s32 @p2 $0x1  }
0x17: {  	s4 =	simm.s32 $0x1BF5;
	[smem:$0x3FBB] =	sst s0  }
0x18: {  	s0 =	sld [smem:$0x3F9E];
	_ =	swait.ge [sflag:s4], $0x0  }
0x19: {  	s7 =	sld [smem:$0x3F9F]  }
0x1a: {  	s8 =	sadd.s32 $0xFFFFE003, lr  }
0x1b: {  	s9 =	sadd.s32 $0xFFFFFEF7, lr;
	s5 =	simm.s32 $0xFFFFFFFF;
	p2 =	slt.u32 s8, $0xFFFFF086  }
0x1c: {  	p1 =	slt.u32 s9, $0xF7A;
	s5 =	simm.s32 @!p2 $0x0  }
0x1d: {  	s5 =	simm.s32 @p1 $0x1;
	p0 =	seq.s32 s7, s2  }
0x1e: {  	s7 =	smul.u32 @!p0 $0xF7A, s2;
	p2 =	seq.s32 @!p0 s5, $0x0  }
0x1f: {  	s9 =	smul.u32 $0xF7A, s1;
	s8 =	simm.s32 @!p0 $0x1BF5;
	p2 =	por !p2, p0  }
0x20: {  	[sflag:s8] =	ssyncset.s32 @!p0 $0xFFFFF086;
	s6 =	sadd.s32 @!p0 s3, s7;
	s7 =	simm.s32 @!p0 $0x108  }
0x21: {  	s3 =	sadd.s32 s3, s9;
	s6 =	sadd.s32 @!p0 $0x88, s6;
	s7 =	simm.s32 @p2 $0x1082  }
0x22: {  	[simem:s7], [sflag:s8] =	dma.local @!p0 [hbm:s6], $0xF7A  }
0x23: {  	s9 =	sor.u32 $0xD0000000, s2;
	s6 =	simm.s32 $0x108;
	_ =	swait.ge @!p0 [sflag:s8], $0x0  }
0x24: {  	s3 =	sadd.s32 $0x88, s3;
	s6 =	simm.s32 @!p1 $0x1082;
	[sflag:s4] =	ssyncset.s32 $0xFFFFF086  }
0x25: {  	[simem:s6], [sflag:s4] =	dma.local [hbm:s3], $0xF7A  }
0x26: {  	[smem:$0x3F9F] =	sst s1;
	(tag) =	ssettag s2;
	_ =	strace s9  }
0x27: {  	s1 =	sld [smem:$0x3FAF]  }
0x28: {  	s2 =	sld [smem:$0x3FB0]  }
0x29: {  	s4 =	sld [smem:$0x3FB2]  }
0x2a: {  	p0 =	seq.s32 s5, $0x0;
	s5 =	sld [smem:$0x3FB3]  }
0x2b: {  	s6 =	sld [smem:$0x3FB4]  }
0x2c: {  	s7 =	sld [smem:$0x3FB5]  }
0x2d: {  	s3 =	simm.s32 $0x108;
	s8 =	sld [smem:$0x3FB6]  }
0x2e: {  	s3 =	simm.s32 @!p0 $0x1082;
	s9 =	sld [smem:$0x3FB7]  }
0x2f: {  	lr =	sadd.s32 s0, s3;
	s0 =	sld [smem:$0x3FAE]  }
0x30: {  	s3 =	sld [smem:$0x3FB1]  }
0x31: {  	[smem:$0x3FBA] =	sst s10  }
0x32: {  	s10 =	sld [smem:$0x3FB8];
	_ =	sdelay $0x3  }
0x33: {  	p0 =	seq.s32 s10, $0x1;
	s10 =	sld [smem:$0x3FBA];
	_ =	sdelay $0x3  }
0x34: {  	[smem:$0x3FBA] =	sst s10  }
0x35: {  	s10 =	sld [smem:$0x3FB9];
	_ =	sdelay $0x3  }
0x36: {  	p1 =	seq.s32 s10, $0x1;
	s10 =	sld [smem:$0x3FBA];
	_ =	sdelay $0x3  }
0x37: {  	[smem:$0x3FBA] =	sst s10  }
0x38: {  	s10 =	sld [smem:$0x3FBB]  }
0x39: {  	_ = 	snop;
	(pc) =	sbr.ind lr, $3  }
0x3a: {  	_ = 	snop  }
0x3b: {  	_ = 	snop  }
0x3c: {  	p2 =	seq.s32 s10, $0x1;
	s10 =	sld [smem:$0x3FBA]  }
0x3d: {  	_ =	shalt  }
0x3e: {  	_ =	shalt  }
0x3f: {  	_ =	shalt  }
0x40: {  	_ =	shalt  }
0x41: {  	_ =	shalt  }
0x42: {  	_ =	shalt  }
0x43: {  	_ =	shalt  }
0x44: {  	_ =	shalt  }
0x45: {  	_ =	shalt  }
0x46: {  	_ =	shalt  }
0x47: {  	_ =	shalt  }
0x48: {  	_ =	shalt  }
0x49: {  	_ =	shalt  }
0x4a: {  	_ =	shalt  }
0x4b: {  	_ =	shalt  }
0x4c: {  	_ =	shalt  }
0x4d: {  	_ =	shalt  }
0x4e: {  	_ =	shalt  }
0x4f: {  	_ =	shalt  }
0x50: {  	_ =	shalt  }
0x51: {  	_ =	shalt  }
0x52: {  	_ =	shalt  }
0x53: {  	_ =	shalt  }
0x54: {  	_ =	shalt  }
0x55: {  	_ =	shalt  }
0x56: {  	_ =	shalt  }
0x57: {  	_ =	shalt  }
0x58: {  	_ =	shalt  }
0x59: {  	_ =	shalt  }
0x5a: {  	_ =	shalt  }
0x5b: {  	_ =	shalt  }
0x5c: {  	_ =	shalt  }
0x5d: {  	_ =	shalt  }
0x5e: {  	_ =	shalt  }
0x5f: {  	_ =	shalt  }
0x60: {  	_ =	shalt  }
0x61: {  	_ =	shalt  }
0x62: {  	_ =	shalt  }
0x63: {  	_ =	shalt  }
0x64: {  	_ =	shalt  }
0x65: {  	_ =	shalt  }
0x66: {  	_ =	shalt  }
0x67: {  	_ =	shalt  }
0x68: {  	_ =	shalt  }
0x69: {  	_ =	shalt  }
0x6a: {  	_ =	shalt  }
0x6b: {  	_ =	shalt  }
0x6c: {  	_ =	shalt  }
0x6d: {  	_ =	shalt  }
0x6e: {  	_ =	shalt  }
0x6f: {  	_ =	shalt  }
0x70: {  	_ =	shalt  }
0x71: {  	_ =	shalt  }
0x72: {  	_ =	shalt  }
0x73: {  	_ =	shalt  }
0x74: {  	_ =	shalt  }
0x75: {  	_ =	shalt  }
0x76: {  	_ =	shalt  }
0x77: {  	_ =	shalt  }
0x78: {  	_ =	shalt  }
0x79: {  	_ =	shalt  }
0x7a: {  	_ =	shalt  }
0x7b: {  	_ =	shalt  }
0x7c: {  	_ =	shalt  }
0x7d: {  	_ =	shalt  }
0x7e: {  	_ =	shalt  }
0x7f: {  	_ =	shalt  }
0x80: {  	_ =	shalt  }
0x81: {  	_ =	shalt  }
0x82: {  	_ =	shalt  }
0x83: {  	_ =	shalt  }
0x84: {  	_ =	shalt  }
0x85: {  	_ =	shalt  }
0x86: {  	_ =	shalt  }
0x87: {  	_ =	shalt  }
.Lfunc_end0:
.L_simem_size_0:
called_computation_lowered:
.L_overlay_start_0:
0x88: {  	s2 =	sld [smem:$0x3FD9]  }
0x89: {  	s3 =	sld [smem:$0x3FFE];
	_ =	sdelay $0x1  }
0x8a: {  	s1 =	srdreg.scid  }
0x8b: {  	s0 =	sand.u32 $0x1, s1  }
0x8c: {  	s16 =	sshll.u32 s0, $0xA;
	s2 =	sadd.s32 s3, s2  }
0x8d: {  	s2 =	sadd.s32 s2, s16  }
0x8e: {  	[smem:$0x3FC6] =	sst s2  }
0x8f: {  	_ = 	snop  }
0x90: {  	(tm) =	ssettm $0x1  }
0x91: {  	s17 =	sld [smem:$0x3FFB];
	_ =	sdelay $0x3  }
0x92: {  	_ =	strace s17  }
0x93: {  	s2 =	sld [smem:$0x3FFC];
	_ =	sdelay $0x3  }
0x94: {  	_ =	strace s2  }
0x95: {  	s2 =	sld [smem:$0x3FFD];
	_ =	sdelay $0x3  }
0x96: {  	_ =	strace s2  }
0x97: {  	_ =	strace $0x8FFFFFFF  }
0x98: {  	s18 =	sld [smem:$0x3FDB];
	_ =	sdelay $0x1  }
0x99: {  	s19 =	simm.s32 $_scs_section_size  }
0x9a: {  	s4 =	simm.s32 $_size__tile_overlayer_lowered;
	s5 =	simm.s32 $_tile_overlayer_lowered  }
0x9b: {  	s22 =	simm.s32 $0x1BFF;
	s21 =	sshll.u32 s5, $0x1;
	s2 =	sadd.s32 s19, s18  }
0x9c: {  	s6 =	simm.s32 $0x0;
	s20 =	sshll.u32 s4, $0x1;
	s4 =	sadd.s32 s21, s2  }
0x9d: {  	[timem:s6], [sflag:s22] =	dma.local [hbm:s4], s20  }
0x9e: {  	_ =	swait.ge [sflag:s22], s20  }
0x9f: {  	s3 =	ssub.s32 $0x0, s20;
	[sflag:s22] =	ssyncset.done $0x0  }
0xa0: {  	[sflag:s22] =	ssyncadd.s32 s3;
	_ =	sdelay $0x1  }
0xa1: {  	s23 =	simm.s32 $0x1B8B  }
0xa2: {  	_ =	swait.ge [sflag:s23], $0x1  }
0xa3: {  	[sflag:s23] =	ssyncset.done $0x0  }
0xa4: {  	s25 =	simm.s32 $0x1B8E;
	s24 =	sld [smem:$0x3FFE];
	[sflag:s23] =	ssyncadd.s32 $0xFFFFFFFF  }
0xa5: {  	s26 =	simm.s32 $execute0_lowered;
	[smem:$0x3FD2] =	sst s25  }
0xa6: {  	s4 =	sshll.u32 s26, $0x1;
	_ =	strace $0x80000046;
	[dreg:$0x1] =	wrdreg $0xFFFFFFFF  }
0xa7: {  	s28 =	simm.s32 $_size_execute0_lowered;
	s2 =	sadd.s32 s2, s4;
	[dreg:$0x0] =	wrdreg $0x0  }
0xa8: {  	s4 =	sshll.u32 s28, $0x1;
	[dreg:$0x2] =	wrdreg s2  }
0xa9: {  	[dreg:$0x3] =	wrdreg s4  }
0xaa: {  	[dreg:$0x4] =	wrdreg $0xC0  }
0xab: {  	_ =	task [dreg:s6], $0x5FFFF  }
0xac: {  	[dreg:$0x1] =	wrdreg $0xFFFFFFFF  }
0xad: {  	[dreg:$0x0] =	wrdreg $0x60  }
0xae: {  	[dreg:$0x2] =	wrdreg s24  }
0xaf: {  	[dreg:$0x3] =	wrdreg $0x9  }
0xb0: {  	_ =	task.clear_ibuf [dreg:s6], $0x4FFFF;
	_ =	strace $0x90000046  }
0xb1: {  	s29 =	simm.s32 $0x9;
	_ =	strace $0x80000048  }
0xb2: {  	_ =	swait.ge [sflag:s29], $0x1  }
0xb3: {  	[sflag:s29] =	ssyncadd.s32 $0xFFFFFFFF  }
0xb4: {  	_ =	strace $0x90000048  }
0xb5: {  	_ =	sfence  }
0xb6: {  	s30 =	sld [smem:$0x0];
	_ =	sdelay $0x2  }
0xb7: {  	s31 =	sshll.u32 s1, $0xD;
	s1 =	sshrl.u32 s1, $0x2  }
0xb8: {  	s3 =	sand.u32 $0x4000, s31;
	s1 =	sadd.s32 s1, s30  }
0xb9: {  	s0 =	sor.u32 s3, s0;
	s1 =	sshll.u32 s1, $0x11  }
0xba: {  	s0 =	sor.u32 s1, s0  }
0xbb: {  	s0 =	sadd.s32 $0x8F2B, s0  }
0xbc: {  	[sflag:s0] =	ssyncadd.remote.s32 $0x1  }
0xbd: {  	_ =	sfence.sel $0xFFFF  }
0xbe: {  	[dreg:$0x0] =	wrdreg $0xFFFFFFFF;
	(pc) =	sbr.abs _section_cstart, $3  }
0xbf: {  	[dreg:$0x1] =	wrdreg $0xFFFFFFFF  }
0xc0: {  	_ =	task.clear_ibuf [dreg:s6], $0x2FFFF;
	_ =	strace $0x9FFFFFFF  }
0xc1: {  	(tm) =	ssettm $0x7FFFFFFF  }
tec
execute0_lowered:
.L_overlay_start_1:
0x0: {  	(tag) =	ssettag $0x1  }
0x1: {  	v53 =	vlaneseq.u32  }
0x2: {  	v0 =	vor.u32 $0x10, v53  }
0x3: {  	v51 =	vor.u32 $0x20, v53;
	[tilespmem:$0x1FF30] =	vst v0  }
0x4: {  	v52 =	vor.u32 $0x30, v53;
	[tilespmem:$0x1FF40] =	vst v51  }
0x5: {  	v1 =	vimm.f32 $0.0e+00;
	vm1 =	vcmask $0x300;
	v54 =	vor.u32 $0x40, v53;
	[tilespmem:$0x1FF50] =	vst v52  }
0x6: {  	v55 =	vor.u32 $0x50, v53;
	v1 =	vsel vm1, $0x3F800000, v1;
	vm1 =	vcmask $0x704;
	[tilespmem:$0x1FF60] =	vst v54  }
0x7: {  	s3 =	rddreg [dreg:$0x0];
	v56 =	vor.u32 $0x60, v53;
	v57 =	vor.u32 $0x70, v53;
	v58 =	vor.u32 $0x80, v53;
	[tilespmem:$0x1FF70] =	vst v55  }
0x8: {  	s0 =	rddreg [dreg:$0x1];
	s2 =	simm.s32 $0x0;
	s4 =	srdreg.scid;
	v59 =	vor.u32 $0x90, v53;
	[tilespmem:$0x1FF80] =	vst v56;
	v1 =	vsel vm1, $0x3F21849D, v1;
	vm1 =	vcmask $0xB08  }
0x9: {  	s1 =	stileid.u32;
	s10 =	simm.s32 $0x1000;
	[smem:$0x7FF] =	sst s2;
	v60 =	vor.u32 $0xA0, v53;
	[tilespmem:$0x1FF90] =	vst v57;
	v1 =	vsel vm1, $0x3F000000, v1;
	vm1 =	vcmask $0xF0C  }
0xa: {  	s8 =	simm.s32 $0x1;
	s9 =	simm.s32 $0x2;
	_ =	strace $0x80000047;
	[tilespmem:$0x1FFA0] =	vst v58;
	v1 =	vsel vm1, $0x3EDC81A3, v1;
	vm1 =	vcmask $0x1310  }
0xb: {  	s11 =	simm.s32 $0x1100;
	s4 =	sand.u32 $0x1, s4;
	s5 =	sshll.u32 s1, $0x1;
	v61 =	vor.u32 $0xB0, v53;
	[tilespmem:$0x1FFB0] =	vst v59;
	v1 =	vsel vm1, $0x3EC61192, v1;
	vm1 =	vcmask $0x1714  }
0xc: {  	s12 =	simm.s32 $0x3;
	s13 =	simm.s32 $0x0;
	v2 =	vmul.u32 $0xFFFFFFFF, v53;
	s5 =	sor.u32 s4, s5;
	[tilespmem:$0x1FFC0] =	vst v60;
	v1 =	vsel vm1, $0x3EB660CA, v1;
	vm1 =	vcmask $0x1B18  }
0xd: {  	v62 =	vadd.s32 $0xB8, v53;
	s4 =	ssub.s32 $0x2, s4;
	s6 =	sshll.u32 s5, $0x8;
	s5 =	sshll.u32 s5, $0x4;
	[tilespmem:$0x1FFD0] =	vst v61;
	v1 =	vsel vm1, $0x3EAAAAAB, v1;
	vm1 =	vcmask $0x1F1C  }
0xe: {  	s31 =	sshrl.u32 s4, $0x1;
	[tilespmem:$0x1FFE0] =	vst v62;
	s6 =	sadd.s32 s6, s3;
	s5 =	sadd.s32 s5, s3;
	v1 =	vsel vm1, $0x3EA1849D, v1;
	vm1 =	vcmask $0x2320  }
0xf: {  	v63 =	vadd.s32 $0xF, v2;
	s7 =	ssub.s32 s4, s31;
	s3 =	sadd.s32 $0x200, s6;
	s4 =	sadd.s32 $0x2200, s6;
	v1 =	vsel vm1, $0x3E9A209B, v1;
	vm1 =	vcmask $0x2724  }
0x10: {  	vm0 =	vmmov $0xff;
	[tilespmem:$0x1FFF0] =	vst v63;
	s5 =	sadd.s32 $0x4200, s5;
	s6 =	smax.u32 s7, $0x1;
	s7 =	simm.s32 $0x800;
	v14 =	vsel vm1, $0x3E94004E, v1;
	vm1 =	vcmask $0x3F20  }
.LBB2_1:
0x11: {  	[tilespmem:s2], [sflag:$0x1] =	stream.linear.gather [hbm4b:s3+s2], $0x800, $0x38;
	[tilespmem:$0x1180] =	vst v63  }
0x12: {  	_ = 	snop  }
0x13: {  	[tilespmem:s7], [sflag:$0x2] =	stream.linear.gather [hbm4b:s4+s2], $0x800, $0x38;
	[tilespmem:$0x1180] =	vst v63  }
0x14: {  	_ =	swait.ge [sflag:s8], $0x800  }
0x15: {  	[sflag:s8] =	ssyncset.done $0x0  }
0x16: {  	[sflag:s8] =	ssyncadd.s32 $0xFFFFF800  }
0x17: {  	_ =	swait.ge [sflag:s9], $0x800  }
0x18: {  	[sflag:s9] =	ssyncset.done $0x0  }
0x19: {  	v0 =	vimm.f32 $0.0e+00;
	s14 =	simm.s32 $0x0;
	[sflag:s9] =	ssyncadd.s32 $0xFFFFF800  }
.LBB2_2:
0x1a: {  	[tilespmem:$0x1FEE0] =	vst v0;
	s15 =	sshll.u32 s14, $0x7;
	v0 =	vld [tilespmem:$0x1FF30]  }
0x1b: {  	v26 =	vld [tilespmem:s15+$0x0]  }
0x1c: {  	v22 =	vld [tilespmem:s15+$0x10];
	_ =	sdelay $0x3  }
0x1d: {  	v27 =	vld [tilespmem:s15+$0x20];
	(xrf1) =	vsort.dscd.msk.f32 $0xffff, v26, v53  }
0x1e: {  	(xrf1) =	vsort.dscd.msk.f32 $0xffff, v22, v0;
	v0 =	vld [tilespmem:$0x1FF40];
	_ =	sdelay $0x3  }
0x1f: {  	v20 =	vld [tilespmem:s15+$0x30]  }
0x20: {  	(xrf1) =	vsort.dscd.msk.f32 $0xffff, v27, v0;
	v0 =	vld [tilespmem:$0x1FF50];
	_ =	sdelay $0x3  }
0x21: {  	v19 =	vld [tilespmem:s15+$0x40]  }
0x22: {  	(xrf1) =	vsort.dscd.msk.f32 $0xffff, v20, v0;
	v0 =	vld [tilespmem:$0x1FF60];
	_ =	sdelay $0x3  }
0x23: {  	v21 =	vld [tilespmem:s15+$0x50]  }
0x24: {  	(xrf1) =	vsort.dscd.msk.f32 $0xffff, v19, v0;
	v0 =	vld [tilespmem:$0x1FF70];
	_ =	sdelay $0x3  }
0x25: {  	v24 =	vld [tilespmem:s15+$0x60]  }
0x26: {  	(xrf1) =	vsort.dscd.msk.f32 $0xffff, v21, v0;
	v0 =	vld [tilespmem:$0x1FF80];
	_ =	sdelay $0x3  }
0x27: {  	v23 =	vld [tilespmem:s15+$0x70]  }
0x28: {  	(xrf1) =	vsort.dscd.msk.f32 $0xffff, v24, v0;
	v0 =	vld [tilespmem:$0x1FF90];
	_ =	sdelay $0x2  }
0x29: {  	s16 =	sor.u32 $0x400, s15  }
0x2a: {  	v17 =	vld [tilespmem:s16+$0x0]  }
0x2b: {  	(xrf1) =	vsort.dscd.msk.f32 $0xffff, v23, v0;
	v0 =	vld [tilespmem:$0x1FFA0];
	_ =	sdelay $0x2  }
0x2c: {  	s25 =	sor.u32 $0x410, s15  }
0x2d: {  	v18 =	vld [tilespmem:s25+$0x0]  }
0x2e: {  	(xrf1) =	vsort.dscd.msk.f32 $0xffff, v17, v0;
	v0 =	vld [tilespmem:$0x1FFB0];
	_ =	sdelay $0x2  }
0x2f: {  	s26 =	sor.u32 $0x420, s15  }
0x30: {  	v25 =	vld [tilespmem:s26+$0x0]  }
0x31: {  	(xrf1) =	vsort.dscd.msk.f32 $0xffff, v18, v0;
	v0 =	vld [tilespmem:$0x1FFC0];
	_ =	sdelay $0x2  }
0x32: {  	s28 =	sor.u32 $0x430, s15  }
0x33: {  	v16 =	vld [tilespmem:s28+$0x0]  }
0x34: {  	(xrf1) =	vsort.dscd.msk.f32 $0xffff, v25, v0;
	v0 =	vld [tilespmem:$0x1FFD0];
	_ =	sdelay $0x3  }
0x35: {  	v13 =	vld [tilespmem:$0x1FFF0]  }
0x36: {  	s29 =	sor.u32 $0x438, s15;
	(xrf1) =	vsort.dscd.msk.f32 $0xffff, v16, v0  }
0x37: {  	v28 =	vld [tilespmem:s29+$0x0]  }
0x38: {  	v1, v2, _ =	vpop (xrf1)  }
0x39: {  	v3, v4, _ =	vpop (xrf1)  }
0x3a: {  	v3 =	vperm.xlane v3, v13;
	v5, v6, _ =	vpop (xrf1);
	v0 =	vld [tilespmem:$0x1FFE0]  }
0x3b: {  	v8, v9, _ =	vpop (xrf1)  }
0x3c: {  	v7 =	vsel vm0, $0xFF61B1E6, v28;
	v4 =	vperm.xlane v4, v13;
	vm2 =	vge.f32 v1, v3;
	v10, v11, _ =	vpop (xrf1)  }
0x3d: {  	v1 =	vsel vm2, v1, v3;
	v8 =	vperm.xlane v8, v13;
	v3 =	vperm.xlane v9, v13;
	v12, v29, _ =	vpop (xrf1)  }
0x3e: {  	v2 =	vsel vm2, v2, v4;
	v4 =	vperm.xlane v12, v13  }
0x3f: {  	vm2 =	vge.f32 v5, v8;
	(xrf1) =	vsort.dscd.msk.f32 $0xffff, v7, v0;
	v7, v9, _ =	vpop (xrf1)  }
0x40: {  	v12, v30, _ =	vpop (xrf1);
	(xrf1) =	vsort.dscd.msk.f32 $0xffff, v1, v2;
	v1 =	vsel vm2, v5, v8;
	v2 =	vsel vm2, v6, v3  }
0x41: {  	v6 =	vperm.xlane v29, v13;
	vm2 =	vge.f32 v10, v4;
	v3, v5, _ =	vpop (xrf1);
	v8 =	vperm.xlane v12, v13  }
0x42: {  	(xrf1) =	vsort.dscd.msk.f32 $0xffff, v1, v2;
	v1 =	vsel vm2, v10, v4;
	v12, v29, _ =	vpop (xrf1)  }
0x43: {  	v10 =	vperm.xlane v30, v13;
	v6 =	vsel vm2, v11, v6;
	v2, v4, _ =	vpop (xrf1);
	vm2 =	vge.f32 v7, v8  }
0x44: {  	(xrf1) =	vsort.dscd.msk.f32 $0xffff, v1, v6;
	v6 =	vperm.xlane v12, v13;
	v1 =	vsel vm2, v7, v8;
	v11, v30, _ =	vpop (xrf1)  }
0x45: {  	v7 =	vsel vm2, v9, v10;
	v8 =	vperm.xlane v29, v13;
	v9 =	vperm.xlane v11, v13  }
0x46: {  	(xrf1) =	vsort.dscd.msk.f32 $0xffff, v1, v7;
	vm2 =	vge.f32 v3, v6;
	v1 =	vperm.xlane v30, v13  }
0x47: {  	v3 =	vsel vm2, v3, v6;
	v5 =	vsel vm2, v5, v8;
	vm2 =	vge.f32 v2, v9  }
0x48: {  	(xrf1) =	vsort.dscd.msk.f32 $0xffff, v3, v5;
	v2 =	vsel vm2, v2, v9;
	v1 =	vsel vm2, v4, v1  }
0x49: {  	(xrf1) =	vsort.dscd.msk.f32 $0xffff, v2, v1;
	_ =	sdelay $0x6  }
0x4a: {  	v1, v2, _ =	vpop (xrf1)  }
0x4b: {  	v3, v4, _ =	vpop (xrf1)  }
0x4c: {  	v5, v6, _ =	vpop (xrf1)  }
0x4d: {  	v7, v8, _ =	vpop (xrf1);
	v5 =	vperm.xlane v5, v13;
	v6 =	vperm.xlane v6, v13  }
0x4e: {  	v9, v10, _ =	vpop (xrf1)  }
0x4f: {  	vm2 =	vge.f32 v3, v5;
	v9 =	vperm.xlane v9, v13  }
0x50: {  	v11, v12, _ =	vpop (xrf1);
	v3 =	vsel vm2, v3, v5;
	v4 =	vsel vm2, v4, v6;
	v5 =	vperm.xlane v10, v13  }
0x51: {  	(xrf1) =	vsort.dscd.msk.f32 $0xffff, v3, v4;
	vm2 =	vge.f32 v7, v9;
	v6, v10, _ =	vpop (xrf1)  }
0x52: {  	v3 =	vsel vm2, v7, v9;
	v4 =	vsel vm2, v8, v5;
	v5 =	vperm.xlane v6, v13  }
0x53: {  	(xrf1) =	vsort.dscd.msk.f32 $0xffff, v3, v4;
	v3 =	vperm.xlane v10, v13  }
0x54: {  	vm2 =	vge.f32 v11, v5  }
0x55: {  	v4 =	vsel vm2, v11, v5;
	v3 =	vsel vm2, v12, v3  }
0x56: {  	(xrf1) =	vsort.dscd.msk.f32 $0xffff, v4, v3;
	_ =	sdelay $0x5  }
0x57: {  	v3 =	vld [tilespmem:s15+$0x800]  }
0x58: {  	v4 =	vld [tilespmem:s15+$0x810];
	_ =	sdelay $0x2  }
0x59: {  	v5, v6, _ =	vpop (xrf1)  }
0x5a: {  	v1 =	vperm.xlane v1, v13;
	v9 =	vld [tilespmem:s15+$0x820];
	v3 =	vmul.f32 $6.931471820e-01, v3;
	v7, v8, _ =	vpop (xrf1)  }
0x5b: {  	v10 =	vld [tilespmem:s15+$0x830];
	v4 =	vmul.f32 $6.931471820e-01, v4;
	v7 =	vperm.xlane v7, v13  }
0x5c: {  	v2 =	vperm.xlane v2, v13;
	v8 =	vperm.xlane v8, v13  }
0x5d: {  	v29 =	vld [tilespmem:s15+$0x840];
	v3 =	vmul.f32 $1.442695020e+00, v3;
	v4 =	vmul.f32 $1.442695020e+00, v4;
	vm2 =	vge.f32 v5, v7;
	v11, v12, _ =	vpop (xrf1)  }
0x5e: {  	v5 =	vsel vm2, v5, v7;
	v6 =	vsel vm2, v6, v8;
	v7 =	vld [tilespmem:s15+$0x850];
	vm2 =	vge.f32 v11, v1  }
0x5f: {  	(xrf1) =	vsort.dscd.msk.f32 $0xffff, v5, v6;
	v5 =	vmul.f32 $6.931471820e-01, v9;
	v1 =	vsel vm2, v11, v1;
	v2 =	vsel vm2, v12, v2  }
0x60: {  	(erf) = vpow2.f32 v3;
	(xrf1) =	vsort.dscd.msk.f32 $0xffff, v1, v2;
	v1 =	vmul.f32 $6.931471820e-01, v10;
	v2 =	vld [tilespmem:s15+$0x860]  }
0x61: {  	(erf) = vpow2.f32 v4;
	v4 =	vld [tilespmem:s15+$0x870];
	v3 =	vmul.f32 $1.442695020e+00, v5  }
0x62: {  	v5 =	vmul.f32 $6.931471820e-01, v29;
	v1 =	vmul.f32 $1.442695020e+00, v1  }
0x63: {  	(erf) = vpow2.f32 v3;
	v3 =	vmul.f32 $6.931471820e-01, v7  }
0x64: {  	v6 =	vld [tilespmem:s15+$0xC00];
	(erf) = vpow2.f32 v1;
	v1 =	vmul.f32 $1.442695020e+00, v5  }
0x65: {  	v3 =	vmul.f32 $1.442695020e+00, v3;
	v5 =	vld [tilespmem:s15+$0xC10];
	v2 =	vmul.f32 $6.931471820e-01, v2  }
0x66: {  	(erf) = vpow2.f32 v1;
	v1 =	vmul.f32 $6.931471820e-01, v4;
	v4 =	vld [tilespmem:s15+$0xC20]  }
0x67: {  	v2 =	vmul.f32 $1.442695020e+00, v2  }
0x68: {  	(erf) = vpow2.f32 v3;
	v3 =	vld [tilespmem:s15+$0xC30];
	v1 =	vmul.f32 $1.442695020e+00, v1  }
0x69: {  	v6 =	vmul.f32 $6.931471820e-01, v6;
	(erf) = vpow2.f32 v2  }
0x6a: {  	v2 =	vmul.f32 $6.931471820e-01, v5;
	v5 =	vpop (erf);
	(erf) = vpow2.f32 v1  }
0x6b: {  	v1 =	vmul.f32 $1.442695020e+00, v6;
	v4 =	vmul.f32 $6.931471820e-01, v4  }
0x6c: {  	v2 =	vmul.f32 $1.442695020e+00, v2  }
0x6d: {  	v6 =	vpop (erf);
	(erf) = vpow2.f32 v1;
	v1 =	vmul.f32 $6.931471820e-01, v3  }
0x6e: {  	v3, v7, _ =	vpop (xrf1);
	(erf) = vpow2.f32 v2  }
0x6f: {  	v2 =	vmul.f32 $1.442695020e+00, v4;
	v1 =	vmul.f32 $1.442695020e+00, v1;
	v4, v8, _ =	vpop (xrf1)  }
0x70: {  	v4 =	vperm.xlane v4, v13  }
0x71: {  	v31 =	vadd.f32 $-1.000000000e+00, v6;
	v6 =	vpop (erf);
	(erf) = vpow2.f32 v2;
	v2 =	vperm.xlane v8, v13  }
0x72: {  	v35 =	vadd.f32 $-1.000000000e+00, v6;
	v6 =	vpop (erf);
	(erf) = vpow2.f32 v1;
	vm2 =	vge.f32 v3, v4  }
0x73: {  	v1 =	vpop (erf);
	v3 =	vsel vm2, v3, v4;
	v2 =	vsel vm2, v7, v2;
	v4 =	vsub.f32 $0.0e+00, v31  }
0x74: {  	v39 =	vadd.f32 $-1.000000000e+00, v1;
	v1 =	vsub.f32 $0.0e+00, v35;
	_ =	sdelay $0x1  }
0x75: {  	v36 =	vadd.f32 $-1.000000000e+00, v6;
	(xrf1) =	vsort.dscd.msk.f32 $0xffff, v3, v2;
	v2 =	vpop (erf)  }
0x76: {  	v3 =	vld [tilespmem:s15+$0xC38];
	(xrf1) =	vsort.ascd.msk.f32 $0xffff, v4, v4;
	v4 =	vpop (erf);
	v33 =	vadd.f32 $-1.000000000e+00, v2;
	v2 =	vsub.f32 $0.0e+00, v39  }
0x77: {  	v6 =	vsub.f32 $0.0e+00, v36;
	(xrf1) =	vsort.ascd.msk.f32 $0xffff, v1, v1;
	v1 =	vpop (erf)  }
0x78: {  	v34 =	vadd.f32 $-1.000000000e+00, v1;
	v1 =	vsub.f32 $0.0e+00, v33  }
0x79: {  	(xrf1) =	vsort.ascd.msk.f32 $0xffff, v6, v6;
	v37 =	vadd.f32 $-1.000000000e+00, v4;
	v4 =	vpop (erf)  }
0x7a: {  	(xrf1) =	vsort.ascd.msk.f32 $0xffff, v2, v2;
	v38 =	vadd.f32 $-1.000000000e+00, v4;
	v2 =	vpop (erf)  }
0x7b: {  	v4 =	vsub.f32 $0.0e+00, v37;
	v6 =	vpop (erf);
	v41 =	vadd.f32 $-1.000000000e+00, v2;
	v2 =	vmul.f32 $6.931471820e-01, v3  }
0x7c: {  	(xrf1) =	vsort.ascd.msk.f32 $0xffff, v1, v1;
	v3 =	vsub.f32 $0.0e+00, v34;
	v30 =	vadd.f32 $-1.000000000e+00, v6;
	v1 =	vpop (erf)  }
0x7d: {  	(xrf1) =	vsort.ascd.msk.f32 $0xffff, v4, v4;
	v6 =	vsub.f32 $0.0e+00, v38;
	v42 =	vadd.f32 $-1.000000000e+00, v1;
	v1 =	vmul.f32 $1.442695020e+00, v2  }
0x7e: {  	v2 =	vsub.f32 $0.0e+00, v41;
	(xrf1) =	vsort.ascd.msk.f32 $0xffff, v3, v3  }
0x7f: {  	v3 =	vsub.f32 $0.0e+00, v30;
	(xrf1) =	vsort.ascd.msk.f32 $0xffff, v6, v6;
	(erf) = vpow2.f32 v1;
	v1 =	vsub.f32 $0.0e+00, v42  }
0x80: {  	(xrf1) =	vsort.ascd.msk.f32 $0xffff, v2, v2  }
0x81: {  	(xrf1) =	vsort.ascd.msk.f32 $0xffff, v3, v3  }
0x82: {  	(xrf1) =	vsort.ascd.msk.f32 $0xffff, v1, v1;
	_ =	sdelay $0x1  }
0x83: {  	v29, v1, _ =	vpop (xrf1)  }
0x84: {  	v2, _, _ =	vpop (xrf1)  }
0x85: {  	v3, _, _ =	vpop (xrf1)  }
0x86: {  	v4, _, _ =	vpop (xrf1)  }
0x87: {  	v7 =	vpop (erf)  }
0x88: {  	v6, _, _ =	vpop (xrf1);
	v32 =	vadd.f32 $-1.000000000e+00, v7  }
0x89: {  	v8, _, _ =	vpop (xrf1)  }
0x8a: {  	v7, _, _ =	vpop (xrf1);
	v9 =	vsub.f32 $0.0e+00, v32  }
0x8b: {  	v10, _, _ =	vpop (xrf1)  }
0x8c: {  	v4 =	vperm.xlane v4, v13;
	v11, _, _ =	vpop (xrf1);
	v9 =	vsel vm0, $0x7F61B1E6, v9  }
0x8d: {  	v8 =	vperm.xlane v8, v13;
	v12, _, _ =	vpop (xrf1)  }
0x8e: {  	v3 =	vmin.f32 v3, v4;
	v4 =	vperm.xlane v10, v13;
	v40, _, _ =	vpop (xrf1);
	(xrf1) =	vsort.ascd.msk.f32 $0xffff, v9, v9  }
0x8f: {  	(xrf1) =	vsort.ascd.msk.f32 $0xffff, v3, v3;
	v3 =	vmin.f32 v6, v8;
	v6 =	vperm.xlane v12, v13;
	v9, _, _ =	vpop (xrf1)  }
0x90: {  	(xrf1) =	vsort.ascd.msk.f32 $0xffff, v3, v3;
	v3 =	vmin.f32 v7, v4;
	v4 =	vperm.xlane v9, v13  }
0x91: {  	(xrf1) =	vsort.ascd.msk.f32 $0xffff, v3, v3;
	v3 =	vmin.f32 v11, v6  }
0x92: {  	(xrf1) =	vsort.ascd.msk.f32 $0xffff, v3, v3;
	v3 =	vmin.f32 v40, v4  }
0x93: {  	(xrf1) =	vsort.ascd.msk.f32 $0xffff, v3, v3;
	_ =	sdelay $0x5  }
0x94: {  	v43 =	vadd.f32 $-1.000000000e+00, v5;
	_ =	sdelay $0x1  }
0x95: {  	[tilespmem:$0x1000] =	vst v43  }
0x96: {  	[tilespmem:$0x1010] =	vst v31;
	v3, _, _ =	vpop (xrf1)  }
0x97: {  	[tilespmem:$0x1020] =	vst v35;
	v4, _, _ =	vpop (xrf1)  }
0x98: {  	[tilespmem:$0x1030] =	vst v36;
	v5, _, _ =	vpop (xrf1)  }
0x99: {  	[tilespmem:$0x1040] =	vst v39;
	v6, _, _ =	vpop (xrf1)  }
0x9a: {  	[tilespmem:$0x1050] =	vst v33;
	v7, _, _ =	vpop (xrf1)  }
0x9b: {  	[tilespmem:$0x1060] =	vst v37;
	v6 =	vperm.xlane v6, v13;
	v8, _, _ =	vpop (xrf1)  }
0x9c: {  	[tilespmem:$0x1070] =	vst v34;
	v8 =	vperm.xlane v8, v13  }
0x9d: {  	[tilespmem:$0x1080] =	vst v38;
	v5 =	vmin.f32 v5, v6  }
0x9e: {  	[tilespmem:$0x1090] =	vst v41;
	(xrf1) =	vsort.ascd.msk.f32 $0xffff, v5, v5;
	v5 =	vmin.f32 v7, v8  }
0x9f: {  	[tilespmem:$0x10A0] =	vst v30;
	(xrf1) =	vsort.ascd.msk.f32 $0xffff, v5, v5  }
0xa0: {  	[tilespmem:$0x10B0] =	vst v42  }
0xa1: {  	[tilespmem:$0x10B8] =	vst v32  }
0xa2: {  	v44 =	vld.idx.msk [tilespmem:v1+s10+$0x0], $0xffff;
	_ =	sdelay $0x1  }
0xa3: {  	s30 =	simm.s32 $0x0  }
0xa4: {  	v1 =	vmov s30  }
0xa5: {  	vm2 =	veq.s32 v1, v53  }
0xa6: {  	v1 =	vnsel vm2, $0x0, v44  }
0xa7: {  	(xrf2) =	vadd.scan.msk.f32 $0xffff, v1  }
0xa8: {  	v6 =	vnsel vm2, $0x0, v29  }
0xa9: {  	(xrf2) =	vadd.scan.msk.f32 $0xffff, v6;
	_ =	sdelay $0x1  }
0xaa: {  	v3 =	vperm.xlane v3, v13;
	v5, _, _ =	vpop (xrf1)  }
0xab: {  	v1, _, _ =	vpop (xrf1)  }
0xac: {  	v1 =	vmin.f32 v1, v3  }
0xad: {  	(xrf1) =	vsort.ascd.msk.f32 $0xffff, v1, v1;
	v1 =	vnsel vm2, $0x0, v14;
	_ =	sdelay $0x2  }
0xae: {  	(xrf2) =	vadd.scan.msk.f32 $0xffff, v1;
	v1, _, _ =	vpop (xrf2)  }
0xaf: {  	v54 =	vbroadcast v1, $0xF  }
0xb0: {  	v1, _, _ =	vpop (xrf2)  }
0xb1: {  	v46 =	vbroadcast v1, $0xF;
	v1 =	vsub.f32 v54, v43;
	v55 =	vsub.f32 v54, v42  }
0xb2: {  	v52 =	vsub.f32 v54, v44;
	v8 =	vsub.f32 v54, v41  }
0xb3: {  	v0 =	vperm.xlane v2, v13;
	v9 =	vsub.f32 v54, v35;
	v10 =	vsub.f32 v54, v39  }
0xb4: {  	v12 =	vsub.f32 v54, v37;
	v60 =	vsub.f32 v54, v33  }
0xb5: {  	[tilespmem:$0x1FEF0] =	vst v0;
	v0 =	vperm.xlane v4, v13;
	v2 =	vadd.f32 v46, v26;
	v51 =	vadd.f32 v46, v28  }
0xb6: {  	v40 =	vimm.f32 $0.0e+00;
	v4 =	vsub.f32 v46, v22;
	v48 =	vsub.f32 v46, v29  }
0xb7: {  	[tilespmem:$0x1FF00] =	vst v0;
	v0 =	vperm.xlane v5, v13;
	v6 =	vsub.f32 v46, v27;
	v56 =	vsub.f32 v46, v28  }
0xb8: {  	vm2 =	vmmov $0x3ff;
	v58 =	vsub.f32 v46, v25;
	v11 =	vsub.f32 v46, v21  }
0xb9: {  	v61 =	vadd.f32 v46, v23;
	v47 =	vsub.f32 v46, v18;
	v3 =	vand.u32 $0x7FFFFFFF, v1;
	v5, _, _ =	vpop (xrf1)  }
0xba: {  	[tilespmem:$0x1FF10] =	vst v0;
	v2 =	vmul.f32 v3, v2;
	v0 =	vperm.xlane v5, v13;
	v5 =	vsub.f32 v46, v26  }
0xbb: {  	v3 =	vadd.f32 v46, v27;
	v6 =	vmul.f32 v6, v9;
	v11 =	vmul.f32 v11, v60  }
0xbc: {  	v60 =	vand.u32 $0x7FFFFFFF, v60;
	v2 =	vadd.f32 $0.0e+00, v2;
	v7, _, _ =	vpop (xrf2);
	v1 =	vmul.f32 v5, v1  }
0xbd: {  	vm4 =	vlt.f32 v6, $0.0e+00;
	v6 =	vsub.f32 v54, v38;
	v45 =	vbroadcast v7, $0xF  }
0xbe: {  	v5 =	vsub.f32 v54, v36;
	vm3 =	vlt.f32 v1, $0.0e+00;
	v1 =	vsub.f32 v46, v19  }
0xbf: {  	v7 =	vadd.f32 v46, v20;
	v50 =	vand.u32 $0x7FFFFFFF, v6;
	v59 =	vnsel vm3, $0x0, v2  }
0xc0: {  	v2 =	vand.u32 $0x7FFFFFFF, v9;
	v9 =	vand.u32 $0x7FFFFFFF, v5;
	v1 =	vmul.f32 v1, v10  }
0xc1: {  	v63 =	vmul.f32 v9, v7;
	v7 =	vsub.f32 v46, v24;
	v9 =	vsub.f32 v46, v23  }
0xc2: {  	v3 =	vmul.f32 v2, v3;
	v2 =	vadd.f32 v46, v24;
	vm3 =	vlt.f32 v1, $0.0e+00  }
0xc3: {  	v1 =	vsub.f32 v54, v34;
	v7 =	vmul.f32 v7, v12;
	v12 =	vand.u32 $0x7FFFFFFF, v12  }
0xc4: {  	v57 =	vsub.f32 v14, v45;
	v3 =	vnsel vm4, $0x0, v3;
	v12 =	vmul.f32 v12, v2  }
0xc5: {  	v2 =	vadd.f32 v46, v17;
	v9 =	vmul.f32 v9, v1;
	v1 =	vand.u32 $0x7FFFFFFF, v1  }
0xc6: {  	vm5 =	vlt.f32 v7, $0.0e+00;
	v7 =	vsub.f32 v46, v20;
	v1 =	vmul.f32 v1, v61  }
0xc7: {  	v62 =	vmul.f32 v50, v2;
	v2 =	vand.u32 $0x7FFFFFFF, v8;
	v8 =	vmul.f32 v47, v8  }
0xc8: {  	v47 =	vadd.f32 v46, v22;
	vm6 =	vlt.f32 v9, $0.0e+00;
	v9 =	vadd.f32 v46, v18  }
0xc9: {  	s31 =	simm.s32 $0x1;
	v61 =	vsub.f32 v46, v17;
	v7 =	vmul.f32 v7, v5;
	v5 =	vsub.f32 v54, v31  }
0xca: {  	vm4 =	vlt.f32 v8, $0.0e+00;
	v8 =	vmov s31;
	v49 =	vmul.f32 v2, v9  }
0xcb: {  	v50 =	vmul.f32 v4, v5;
	v4 =	vand.u32 $0x7FFFFFFF, v5;
	v2 =	vand.u32 $0x7FFFFFFF, v10  }
0xcc: {  	v5 =	vadd.f32 v46, v21;
	v10 =	vmul.f32 v61, v6;
	v6 =	vadd.f32 v46, v19  }
0xcd: {  	v61 =	vnsel vm6, $0x0, v1;
	v1 =	vnsel vm5, $0x0, v12;
	vm5 =	veq.s32 v8, v53  }
0xce: {  	v8 =	vsub.f32 v54, v30;
	v9 =	vmul.f32 v4, v47;
	v4 =	vadd.f32 v46, v25  }
0xcf: {  	v12 =	vnsel vm5, $0x0, v44;
	v5 =	vmul.f32 v60, v5;
	vm6 =	vlt.f32 v50, $0.0e+00  }
0xd0: {  	s15 =	simm.s32 $0x2;
	[tilespmem:$0x1FF20] =	vst v0;
	v60 =	vnsel vm4, $0x0, v49;
	vm4 =	vlt.f32 v11, $0.0e+00;
	v11 =	vnsel vm5, $0x0, v29  }
.LBB2_3:
0xd1: {  	vm7 =	vlt.f32 v7, $0.0e+00;
	v7 =	vand.u32 $0x7FFFFFFF, v8  }
0xd2: {  	p0 =	sne.s32 s15, $0x9;
	(xrf2) =	vadd.scan.msk.f32 $0xffff, v12;
	v12 =	vsub.f32 v46, v16;
	s16 =	smov.u32 s15;
	s15 =	sadd.s32 $0x1, s15;
	v9 =	vnsel vm6, $0x0, v9;
	vm6 =	vlt.f32 v10, $0.0e+00  }
0xd3: {  	v2 =	vmul.f32 v2, v6;
	v4 =	vmul.f32 v7, v4;
	v7 =	vnsel vm7, $0x0, v63  }
0xd4: {  	v9 =	vadd.f32 v59, v9;
	v10 =	vmul.f32 v12, v55;
	v12 =	vsub.f32 v54, v32  }
0xd5: {  	v6 =	vmul.f32 v58, v8;
	v8 =	vadd.f32 v46, v16;
	v2 =	vnsel vm3, $0x0, v2;
	(xrf2) =	vadd.scan.msk.f32 $0xffff, v11  }
0xd6: {  	v3 =	vadd.f32 v9, v3;
	vm7 =	vlt.f32 v10, $0.0e+00;
	v10 =	vand.u32 $0x7FFFFFFF, v55  }
0xd7: {  	vm3 =	vlt.f32 v6, $0.0e+00;
	v8 =	vmul.f32 v10, v8;
	v10 =	vmul.f32 v56, v12  }
0xd8: {  	v11 =	vnsel vm5, $0x0, v14;
	v9 =	vand.u32 $0x7FFFFFFF, v52;
	v3 =	vadd.f32 v3, v7  }
0xd9: {  	v6 =	vnsel vm7, $0x0, v8;
	vm5 =	vlt.f32 v10, $0.0e+00;
	v8 =	vmul.f32 v57, v52  }
0xda: {  	v9 =	vmul.f32 v9, v45;
	v7 =	vand.u32 $0x7FFFFFFF, v12  }
0xdb: {  	v7 =	vmul.f32 v7, v51;
	v2 =	vadd.f32 v3, v2;
	v8 =	vand.u32 $0x7FFFFFFF, v8  }
0xdc: {  	v0 =	vnsel vm4, $0x0, v5;
	vm5 =	vmand vm5, vm1;
	v10, _, _ =	vpop (xrf2);
	v3 =	vmul.f32 $5.000000000e-01, v8  }
0xdd: {  	v7 =	vnsel vm5, $0x0, v7;
	v2 =	vadd.f32 v2, v0;
	v8 =	vmul.f32 v48, v52;
	(xrf2) =	vadd.scan.msk.f32 $0xffff, v11  }
0xde: {  	v4 =	vnsel vm3, $0x0, v4;
	v54 =	vbroadcast v10, $0xF;
	v3 =	vsub.f32 v3, v9  }
0xdf: {  	v10 =	vadd.f32 v46, v29;
	v1 =	vadd.f32 v2, v1;
	v9 =	vnsel vm6, $0x0, v62;
	v5, _, _ =	vpop (xrf2)  }
0xe0: {  	vm3 =	vlt.f32 v8, $0.0e+00;
	v2 =	vsub.f32 v54, v43;
	v46 =	vbroadcast v5, $0xF  }
0xe1: {  	v55 =	vsub.f32 v54, v42;
	vm3 =	vmand vm3, vm2;
	v1 =	vadd.f32 v1, v61  }
0xe2: {  	v3 =	vmul.f32 v3, v10;
	v5 =	vadd.f32 v46, v26;
	v51 =	vadd.f32 v46, v28  }
0xe3: {  	v8 =	vand.u32 $0x7FFFFFFF, v2;
	v10 =	vsub.f32 v46, v22;
	v48 =	vsub.f32 v46, v29  }
0xe4: {  	v52 =	vsub.f32 v54, v44;
	v5 =	vmul.f32 v8, v5;
	v8 =	vadd.f32 v46, v27  }
0xe5: {  	v11 =	vsub.f32 v46, v27;
	v56 =	vsub.f32 v46, v28  }
0xe6: {  	v1 =	vadd.f32 v1, v9;
	v9 =	vnsel vm3, $0x0, v3;
	v5 =	vadd.f32 $0.0e+00, v5  }
0xe7: {  	v49 =	vsub.f32 v54, v41;
	v3 =	vsub.f32 v46, v26;
	v12, _, _ =	vpop (xrf2)  }
0xe8: {  	v50 =	vsub.f32 v54, v35;
	v47 =	vadd.f32 v46, v20;
	v12 =	vbroadcast v12, $0xF  }
0xe9: {  	v61 =	vsub.f32 v54, v37;
	v1 =	vadd.f32 v1, v60  }
0xea: {  	v58 =	vsub.f32 v46, v25;
	v60 =	vsub.f32 v54, v36;
	v2 =	vmul.f32 v3, v2  }
0xeb: {  	v3 =	vmul.f32 v11, v50;
	v11 =	vsub.f32 v54, v39;
	v1 =	vadd.f32 v1, v4  }
0xec: {  	v4 =	vsub.f32 v46, v19;
	vm3 =	vlt.f32 v2, $0.0e+00;
	v57 =	vsub.f32 v14, v12  }
0xed: {  	v2 =	vand.u32 $0x7FFFFFFF, v11;
	v1 =	vadd.f32 v1, v6;
	v59 =	vnsel vm3, $0x0, v5  }
0xee: {  	v6 =	vmul.f32 v4, v11;
	v4 =	vadd.f32 v46, v25;
	v5 =	vand.u32 $0x7FFFFFFF, v50  }
0xef: {  	v53 =	vadd.f32 v46, v21;
	v11 =	vand.u32 $0x7FFFFFFF, v60;
	v50 =	vsub.f32 v46, v21  }
0xf0: {  	v63 =	vmul.f32 v11, v47;
	vm3 =	vlt.f32 v6, $0.0e+00;
	v1 =	vadd.f32 v1, v7  }
0xf1: {  	vm4 =	vlt.f32 v3, $0.0e+00;
	v11 =	vsub.f32 v54, v38;
	v6 =	vsub.f32 v54, v34  }
0xf2: {  	v3 =	vmul.f32 v5, v8;
	v5 =	vadd.f32 v46, v24;
	v1 =	vmul.f32 v1, v45;
	v45 =	vmovc v12  }
0xf3: {  	v7 =	vsub.f32 v54, v33;
	v8 =	vsub.f32 v46, v24;
	v12 =	vand.u32 $0x7FFFFFFF, v61  }
0xf4: {  	v47 =	vsub.f32 v46, v23;
	v3 =	vnsel vm4, $0x0, v3;
	v1 =	vadd.f32 v1, v40  }
0xf5: {  	v50 =	vmul.f32 v50, v7;
	v8 =	vmul.f32 v8, v61;
	v61 =	vadd.f32 v46, v23  }
0xf6: {  	v47 =	vmul.f32 v47, v6;
	v62 =	vand.u32 $0x7FFFFFFF, v6;
	v40 =	vadd.f32 v1, v9  }
0xf7: {  	v0 =	vsub.f32 v46, v18;
	vm4 =	vlt.f32 v8, $0.0e+00;
	v8 =	vsub.f32 v46, v17  }
0xf8: {  	v6 =	vadd.f32 v46, v19;
	vm5 =	vlt.f32 v47, $0.0e+00;
	v9 =	vadd.f32 v46, v18  }
0xf9: {  	v15 =	vand.u32 $0x7FFFFFFF, v7;
	v47 =	vadd.f32 v46, v22;
	v1 =	vmul.f32 v62, v61  }
0xfa: {  	v7 =	vsub.f32 v46, v20;
	v5 =	vmul.f32 v12, v5;
	v12 =	vadd.f32 v46, v17  }
0xfb: {  	v13 =	vsub.f32 v54, v31;
	v0 =	vmul.f32 v0, v49;
	v62 =	vand.u32 $0x7FFFFFFF, v11  }
0xfc: {  	v7 =	vmul.f32 v7, v60;
	v62 =	vmul.f32 v62, v12;
	v61 =	vnsel vm5, $0x0, v1  }
0xfd: {  	v12 =	vmul.f32 v10, v13;
	v10 =	vand.u32 $0x7FFFFFFF, v49;
	v13 =	vand.u32 $0x7FFFFFFF, v13  }
.Ltmp0:
0xfe: {  	v1 =	vnsel vm4, $0x0, v5;
	v49 =	vmul.f32 v10, v9;
	v9 =	vmul.f32 v13, v47;
	(pc) =	sbr.rel @p0 .LBB2_3-.Ltmp0, $4  }
0xff: {  	v10 =	vmul.f32 v8, v11;
	v8 =	vsub.f32 v54, v30;
	v11 =	vmov s16  }
0x100: {  	v5 =	vmul.f32 v15, v53;
	v53 =	vlaneseq.u32;
	vm4 =	vlt.f32 v0, $0.0e+00  }
0x101: {  	vm5 =	veq.s32 v11, v53;
	vm6 =	vlt.f32 v12, $0.0e+00;
	v60 =	vnsel vm4, $0x0, v49  }
0x102: {  	v12 =	vnsel vm5, $0x0, v44;
	v11 =	vnsel vm5, $0x0, v29;
	vm4 =	vlt.f32 v50, $0.0e+00  }
0x103: {  	v0 =	vsub.f32 $0.0e+00, v43;
	_ =	sdelay $0x1  }
0x104: {  	(xrf1) =	vsort.ascd.msk.f32 $0xffff, v0, v0;
	_ =	sdelay $0x9  }
0x105: {  	v13 =	vld [tilespmem:$0x1FEF0];
	_ =	sdelay $0x3  }
0x106: {  	v0, _, _ =	vpop (xrf1)  }
0x107: {  	v0 =	vmin.f32 v0, v13  }
0x108: {  	(xrf1) =	vsort.ascd.msk.f32 $0xffff, v0, v0;
	_ =	sdelay $0x9  }
0x109: {  	v13 =	vld [tilespmem:$0x1FF00];
	_ =	sdelay $0x3  }
0x10a: {  	v0, _, _ =	vpop (xrf1)  }
0x10b: {  	v0 =	vmin.f32 v0, v13  }
0x10c: {  	(xrf1) =	vsort.ascd.msk.f32 $0xffff, v0, v0;
	_ =	sdelay $0x9  }
0x10d: {  	v13 =	vld [tilespmem:$0x1FF10];
	_ =	sdelay $0x3  }
0x10e: {  	v0, _, _ =	vpop (xrf1)  }
0x10f: {  	v0 =	vmin.f32 v0, v13  }
0x110: {  	(xrf1) =	vsort.ascd.msk.f32 $0xffff, v0, v0  }
0x111: {  	(xrf2) =	vadd.scan.msk.f32 $0xffff, v12  }
0x112: {  	(xrf2) =	vadd.scan.msk.f32 $0xffff, v11  }
0x113: {  	vm7 =	vlt.f32 v7, $0.0e+00;
	v50 =	vand.u32 $0x7FFFFFFF, v8  }
0x114: {  	v9 =	vnsel vm6, $0x0, v9;
	vm14 =	vlt.f32 v10, $0.0e+00;
	v49 =	vsub.f32 v54, v32  }
0x115: {  	v2 =	vmul.f32 v2, v6;
	v54 =	vmul.f32 v58, v8;
	v58 =	vand.u32 $0x7FFFFFFF, v55  }
0x116: {  	v10 =	vand.u32 $0x7FFFFFFF, v52;
	v5 =	vnsel vm4, $0x0, v5;
	v9 =	vadd.f32 v59, v9  }
0x117: {  	v4 =	vmul.f32 v50, v4;
	v47 =	vnsel vm7, $0x0, v63;
	v0 =	vsub.f32 v46, v16  }
0x118: {  	v50 =	vadd.f32 v46, v16;
	v63 =	vnsel vm5, $0x0, v14;
	v3 =	vadd.f32 v9, v3  }
0x119: {  	v7 =	vmul.f32 v10, v45;
	v9 =	vand.u32 $0x7FFFFFFF, v49;
	v0 =	vmul.f32 v0, v55  }
0x11a: {  	v59 =	vmul.f32 v56, v49;
	v49 =	vld [tilespmem:$0x1FF20];
	v6 =	vmul.f32 v9, v51;
	v3 =	vadd.f32 v3, v47  }
0x11b: {  	v47, _, _ =	vpop (xrf2);
	vm15 =	vlt.f32 v0, $0.0e+00;
	v0 =	vnsel vm3, $0x0, v2;
	v2 =	vmul.f32 v58, v50  }
0x11c: {  	v51 =	vadd.f32 v46, v29;
	vm3 =	vlt.f32 v54, $0.0e+00;
	v50, _, _ =	vpop (xrf2);
	v0 =	vadd.f32 v3, v0  }
0x11d: {  	v46 =	vbroadcast v50, $0xF;
	v55 =	vnsel vm3, $0x0, v4;
	v8 =	vnsel vm15, $0x0, v2  }
0x11e: {  	v2 =	vmul.f32 v57, v52;
	v52 =	vmul.f32 v48, v52;
	v0 =	vadd.f32 v0, v5;
	v3, _, _ =	vpop (xrf1)  }
0x11f: {  	v56 =	vadd.f32 v46, v26;
	v15 =	vsub.f32 v46, v22;
	v3 =	vmin.f32 v3, v49  }
0x120: {  	v57 =	vnsel vm14, $0x0, v62;
	v58 =	vsub.f32 v46, v27;
	v9 =	vsub.f32 v46, v28;
	(xrf1) =	vsort.ascd.msk.f32 $0xffff, v3, v3  }
0x121: {  	(xrf2) =	vadd.scan.msk.f32 $0xffff, v63;
	v5 =	vbroadcast v47, $0xF;
	v62 =	vadd.f32 v46, v20;
	v63 =	vsub.f32 v46, v19  }
0x122: {  	vm3 =	vlt.f32 v52, $0.0e+00;
	v52 =	vsub.f32 v46, v21;
	v0 =	vadd.f32 v0, v1  }
0x123: {  	vm9 =	vlt.f32 v59, $0.0e+00;
	v54 =	vsub.f32 v5, v43;
	v12 =	vsub.f32 v5, v42  }
0x124: {  	vm5 =	vmand vm9, vm1;
	v1 =	vsub.f32 v46, v29;
	v41 =	vsub.f32 v5, v41  }
0x125: {  	v6 =	vnsel vm5, $0x0, v6;
	v35 =	vsub.f32 v5, v35;
	v36 =	vsub.f32 v5, v36  }
0x126: {  	v2 =	vand.u32 $0x7FFFFFFF, v2;
	v42 =	vsub.f32 v46, v25;
	v39 =	vsub.f32 v5, v39  }
0x127: {  	v2 =	vmul.f32 $5.000000000e-01, v2;
	v25 =	vadd.f32 v46, v25;
	v37 =	vsub.f32 v5, v37  }
0x128: {  	vm2 =	vmand vm3, vm2;
	v31 =	vsub.f32 v5, v31;
	v0 =	vadd.f32 v0, v61  }
0x129: {  	v13 =	vand.u32 $0x7FFFFFFF, v54;
	v61 =	vsub.f32 v46, v26;
	v26 =	vsub.f32 v5, v44  }
0x12a: {  	v43 =	vand.u32 $0x7FFFFFFF, v39;
	v15 =	vmul.f32 v15, v31;
	v31 =	vand.u32 $0x7FFFFFFF, v31  }
0x12b: {  	v4 =	vmul.f32 v13, v56;
	v13 =	vadd.f32 v46, v27;
	v27 =	vmul.f32 v58, v35  }
0x12c: {  	v56 =	vsub.f32 v5, v33;
	v58 =	vand.u32 $0x7FFFFFFF, v37;
	v0 =	vadd.f32 v0, v57  }
0x12d: {  	v10 =	vmul.f32 v61, v54;
	v54 =	vsub.f32 v5, v34;
	v3 =	vsub.f32 v2, v7  }
0x12e: {  	v57 =	vsub.f32 v46, v24;
	v61 =	vadd.f32 v46, v23;
	vm12 =	vlt.f32 v15, $0.0e+00;
	v48, _, _ =	vpop (xrf1)  }
0x12f: {  	v15 =	vsub.f32 v46, v17;
	v59 =	vadd.f32 $0.0e+00, v4;
	v50 =	vmul.f32 v14, v48  }
0x130: {  	vm10 =	vlt.f32 v27, $0.0e+00;
	v27 =	vand.u32 $0x7FFFFFFF, v56;
	v0 =	vadd.f32 v0, v60  }
0x131: {  	vm3 =	vlt.f32 v10, $0.0e+00;
	v49 =	vand.u32 $0x7FFFFFFF, v35;
	v4 =	vmul.f32 v3, v51;
	v3, _, _ =	vpop (xrf2);
	(xrf2) =	vadd.scan.msk.f32 $0xffff, v50  }
0x132: {  	v10 =	vmul.f32 v63, v39;
	v63 =	vadd.f32 v46, v21;
	v39 =	vadd.f32 v46, v18  }
0x133: {  	v60 =	vmul.f32 v52, v56;
	v52 =	vadd.f32 v46, v16;
	v2 =	vadd.f32 v46, v28  }
0x134: {  	v28 =	vnsel vm3, $0x0, v59;
	v59 =	vsub.f32 v46, v23;
	v0 =	vadd.f32 v0, v55  }
0x135: {  	vm3 =	vlt.f32 v10, $0.0e+00;
	v55 =	vsub.f32 v5, v38;
	v47 =	vmul.f32 v27, v63  }
0x136: {  	v51 =	vand.u32 $0x7FFFFFFF, v36;
	v34 =	vmul.f32 v59, v54;
	v0 =	vadd.f32 v0, v8  }
0x137: {  	v7 =	vmul.f32 v51, v62;
	v8 =	vmul.f32 v49, v13;
	v62 =	vadd.f32 v46, v22  }
0x138: {  	v13 =	vadd.f32 v46, v24;
	v24 =	vmul.f32 v57, v37;
	v37 =	vadd.f32 v46, v19  }
0x139: {  	v10 =	vmul.f32 v15, v55;
	v15 =	vsub.f32 v5, v30;
	v22 =	vmul.f32 v31, v62  }
0x13a: {  	v44 =	vand.u32 $0x7FFFFFFF, v55;
	v5 =	vsub.f32 v5, v32;
	v31 =	vsub.f32 v46, v20  }
0x13b: {  	vm13 =	vlt.f32 v34, $0.0e+00;
	v3 =	vbroadcast v3, $0xF;
	v22 =	vnsel vm12, $0x0, v22;
	v38, _, _ =	vpop (xrf2)  }
0x13c: {  	v20 =	vmul.f32 v31, v36;
	v22 =	vadd.f32 v28, v22;
	(v2sf) =	vpush v38, $0xF  }
0x13d: {  	v0 =	vadd.f32 v0, v6;
	v8 =	vnsel vm10, $0x0, v8;
	v6 =	vand.u32 $0x7FFFFFFF, v54  }
0x13e: {  	vm11 =	vlt.f32 v24, $0.0e+00;
	vm14 =	vlt.f32 v20, $0.0e+00;
	v8 =	vadd.f32 v22, v8  }
0x13f: {  	v13 =	vmul.f32 v58, v13;
	v19 =	vmul.f32 v43, v37;
	v7 =	vnsel vm14, $0x0, v7  }
0x140: {  	v43 =	vadd.f32 v46, v17;
	v51 =	vand.u32 $0x7FFFFFFF, v15;
	v7 =	vadd.f32 v8, v7  }
0x141: {  	v54 =	vand.u32 $0x7FFFFFFF, v12;
	v15 =	vmul.f32 v42, v15;
	v19 =	vnsel vm3, $0x0, v19  }
0x142: {  	v56 =	vmul.f32 v9, v5;
	vm3 =	vlt.f32 v60, $0.0e+00;
	v7 =	vadd.f32 v7, v19  }
0x143: {  	v0 =	vmul.f32 v0, v45;
	v45 =	vsub.f32 v46, v18;
	v18 =	vnsel vm3, $0x0, v47  }
0x144: {  	v6 =	vmul.f32 v6, v61;
	v11 =	vsub.f32 v14, v3;
	v7 =	vadd.f32 v7, v18  }
0x145: {  	v13 =	vnsel vm11, $0x0, v13;
	v8 =	vmul.f32 v45, v41;
	v48 =	vand.u32 $0x7FFFFFFF, v41  }
0x146: {  	v17 =	vmul.f32 v44, v43;
	v49 =	vmul.f32 v48, v39;
	v7 =	vadd.f32 v7, v13  }
0x147: {  	v6 =	vnsel vm13, $0x0, v6;
	vm3 =	vlt.f32 v8, $0.0e+00;
	v50 =	vsub.f32 v46, v16  }
0x148: {  	v13 =	vnsel vm3, $0x0, v49;
	vm3 =	vlt.f32 v10, $0.0e+00;
	v6 =	vadd.f32 v7, v6  }
0x149: {  	v5 =	vand.u32 $0x7FFFFFFF, v5;
	v8 =	vmul.f32 v50, v12;
	v12 =	vnsel vm3, $0x0, v17  }
0x14a: {  	v55 =	vmul.f32 v51, v25;
	v57 =	vmul.f32 v11, v26;
	v6 =	vadd.f32 v6, v12  }
0x14b: {  	v2 =	vmul.f32 v5, v2;
	vm15 =	vlt.f32 v15, $0.0e+00;
	v60 =	vand.u32 $0x7FFFFFFF, v26;
	s15 =	spop (v2sf)  }
0x14c: {  	v62 =	vmul.f32 v60, v3;
	v61 =	vand.u32 $0x7FFFFFFF, v57;
	v6 =	vadd.f32 v6, v13;
	s15 =	ssub.f32 $0.0e+00, s15  }
0x14d: {  	v58 =	vnsel vm15, $0x0, v55;
	v5 =	vmul.f32 $5.000000000e-01, v61;
	v7 =	vmul.f32 v54, v52  }
0x14e: {  	vm3 =	vlt.f32 v8, $0.0e+00;
	v6 =	vadd.f32 v6, v58;
	v59 =	vmov s15  }
0x14f: {  	v7 =	vnsel vm3, $0x0, v7;
	vm3 =	vlt.f32 v56, $0.0e+00;
	(erf) = vrcp.f32 v59  }
0x150: {  	v1 =	vmul.f32 v1, v26;
	vm3 =	vmand vm3, vm1;
	v6 =	vadd.f32 v6, v7  }
0x151: {  	v63 =	vadd.f32 v46, v29;
	v5 =	vsub.f32 v5, v62;
	v2 =	vnsel vm3, $0x0, v2  }
0x152: {  	v4 =	vnsel vm2, $0x0, v4;
	v0 =	vadd.f32 v0, v40;
	v2 =	vadd.f32 v6, v2  }
0x153: {  	vm2 =	vmmov $0x3ff;
	vm3 =	vlt.f32 v1, $0.0e+00;
	v1 =	vmul.f32 v5, v63  }
0x154: {  	v0 =	vadd.f32 v0, v4;
	vm2 =	vmand vm3, vm2;
	v2 =	vmul.f32 v2, v3  }
0x155: {  	v1 =	vnsel vm2, $0x0, v1  }
0x156: {  	v0 =	vadd.f32 v2, v0;
	_ =	sdelay $0x1  }
0x157: {  	v0 =	vadd.f32 v0, v1;
	vm2 =	veq.f32 v59, $0.0e+00;
	v1 =	vpop (erf)  }
0x158: {  	v1 =	vsel vm2, $0x0, v1  }
0x159: {  	s14 =	sadd.s32 $0x1, s14;
	v0 =	vmul.f32 v0, v1;
	v1 =	vld [tilespmem:$0x1FEE0]  }
0x15a: {  	p0 =	sne.s32 s14, $0x8  }
.Ltmp1:
0x15b: {  	_ = 	snop;
	(pc) =	sbr.rel @p0 .LBB2_2-.Ltmp1, $2  }
0x15c: {  	_ =	sdelay $0x1  }
0x15d: {  	v0 =	vsub.f32 v1, v0;
	_ =	sdelay $0x1  }
0x15e: {  	s13 =	sadd.s32 $0x1, s13  }
0x15f: {  	p0 =	sne.s32 s13, s6  }
.Ltmp2:
0x160: {  	[tilespmem:$0x1100] =	vst v0;
	(pc) =	sbr.rel @p0 .LBB2_1-.Ltmp2, $4  }
0x161: {  	[hbm4b:s5+s2] =	stream.linear.scatter [tilespmem:s11], [sflag:$0x3], $0x80, $0x38;
	[tilespmem:$0x1180] =	vst v63  }
0x162: {  	_ =	swait.ge [sflag:s12], $0x80  }
0x163: {  	[sflag:s12] =	ssyncset.done $0x0  }
0x164: {  	[sflag:s12] =	ssyncadd.s32 $0xFFFFFF80  }
0x165: {  	_ =	sfence.sel $0x180000  }
0x166: {  	[bflag:$0x0] =	sbarrier.arrive $0xFFFF  }
0x167: {  	p0 =	sne.s32 s1, $0x0;
	_ =	strace $0x90000047  }
0x168: {  	s0 =	sadd.s32 @!p0 $0x100000, s0;
	[bflag:$0x2] =	sbarrier.arrive $0xFFFF  }
0x169: {  	[sflag:s0] =	ssyncadd.tile.s32 @!p0 $0x1;
	_ =	shalt  }
.Lfunc_end2:
_tile_overlayer_lowered:
.L_overlay_start_2:
0x16a: {  	(tag) =	ssettag $0x2  }
0x16b: {  	s0 =	rddreg [dreg:$0x0];
	s2 =	stileid.u32  }
0x16c: {  	s1 =	rddreg [dreg:$0x1];
	p0 =	sne.s32 s2, $0x0  }
0x16d: {  	s3 =	rddreg [dreg:$0x2];
	[bflag:$0x3] =	sbarrier.arrive $0xFFFF;
	s2 =	simm.s32 @!p0 $0x1C03  }
0x16e: {  	[timem:s3], [sflag:s2] =	dma.local @!p0 [hbm:s0], s1  }
0x16f: {  	s0 =	simm.s32 @!p0 $0x3  }
0x170: {  	_ =	swait.ge @!p0 [sflag:s0], s1  }
0x171: {  	s1 =	ssub.s32 @!p0 $0x0, s1;
	[sflag:s0] =	ssyncset.done @!p0 $0x0  }
0x172: {  	[sflag:s0] =	ssyncadd.s32 @!p0 s1  }
0x173: {  	[bflag:$0x3] =	sbarrier.arrive $0xFFFF  }
0x174: {  	_ =	shalt  }

</sc_bundles>
